<compile_context>
chip_gen: v7x
topology: tpu7x:2x2x1
jax: 0.10.2.dev20260603
libtpu: 0.0.44.dev20260713+nightly
codegen_flags: <defaults>
</compile_context>

<pallas_src>
import functools

import jax
import jax.numpy as jnp
from jax import lax
from jax.experimental import pallas as pl
from jax.experimental.pallas import tpu as pltpu
from jax.experimental.pallas import tpu_sc as plsc

K = 8
B, D, N = 4, 2048, 8192
R = B * D
L = 16
VPR = N // L
G = 8
NG = VPR // G
NC, NS = 2, 16
NW = NC * NS
RPW = R // NW
CR = 4
CW = CR * N
NCH = RPW // CR
NEG = float("-inf")

_SORT8 = [(0, 1), (2, 3), (4, 5), (6, 7),
          (0, 2), (1, 3), (4, 6), (5, 7),
          (1, 2), (5, 6), (0, 4), (3, 7),
          (1, 5), (2, 6),
          (1, 4), (3, 6),
          (2, 4), (3, 5),
          (3, 4)]
_CLEAN8 = [(0, 4), (1, 5), (2, 6), (3, 7),
           (0, 2), (1, 3), (4, 6), (5, 7),
           (0, 1), (2, 3), (4, 5), (6, 7)]


def _sortd(v):
    sk, _ = plsc.sort_key_val(v, v, descending=True)
    return sk


def _msort(a, b, lane):
    comb = jnp.where(lane < K, a, lax.rev(b, (0,)))
    return _sortd(comb)


def _net(vs, pairs):
    vs = list(vs)
    for i, j in pairs:
        hi = jnp.maximum(vs[i], vs[j])
        lo = jnp.minimum(vs[i], vs[j])
        vs[i], vs[j] = hi, lo
    return vs


def _merge_topk(s, xs):
    r = [jnp.maximum(s[i], xs[K - 1 - i]) for i in range(K)]
    return _net(r, _CLEAN8)


def _sc_body(x_hbm, out_hbm, buf, stage, sem0, sem1):
    cid = lax.axis_index("c")
    sid = lax.axis_index("s")
    w = sid * NC + cid
    row0 = w * RPW
    base_off = row0 * N
    b_idx = w // (D // RPW)
    d0 = (w % (D // RPW)) * RPW

    lane = lax.iota(jnp.int32, L)
    lt8 = lane < K
    neg_v = jnp.full((L,), NEG, jnp.float32)

    def copy(c, par, sem):
        return pltpu.make_async_copy(
            x_hbm.at[b_idx, pl.ds(d0 + c * CR, CR), :],
            buf.at[par],
            sem,
        )

    copy(0, 0, sem0).start()
    copy(1, 1, sem1).start()

    def chunk_body(c, carry):
        par = c & 1

        @pl.when(par == 0)
        def _():
            copy(c, 0, sem0).wait()

        @pl.when(par == 1)
        def _():
            copy(c, 1, sem1).wait()

        def row_body(r, _):
            def pair_body(p, carrys):
                sa, sb = carrys
                ga = p * (2 * G * L)
                xa = [buf[par, r, pl.ds(ga + i * L, L)] for i in range(G)]
                sa = _merge_topk(sa, _net(xa, _SORT8))
                gb = ga + G * L
                xb = [buf[par, r, pl.ds(gb + i * L, L)] for i in range(G)]
                sb = _merge_topk(sb, _net(xb, _SORT8))
                return tuple(sa), tuple(sb)

            init = (neg_v,) * K
            sa, sb = lax.fori_loop(0, NG // 2, pair_body, (init, init),
                                   unroll=2)

            s = _merge_topk(list(sa), list(sb))
            t01 = _msort(_sortd(s[0]), _sortd(s[1]), lane)
            t23 = _msort(_sortd(s[2]), _sortd(s[3]), lane)
            t45 = _msort(_sortd(s[4]), _sortd(s[5]), lane)
            t67 = _msort(_sortd(s[6]), _sortd(s[7]), lane)
            top8 = _msort(_msort(t01, t23, lane), _msort(t45, t67, lane),
                          lane)

            i_row = c * CR + r
            plsc.store_scatter(stage, [lane * RPW + i_row], top8, mask=lt8)
            return 0

        lax.fori_loop(0, CR, row_body, 0)

        c2 = c + 2

        @pl.when((c2 < NCH) & (par == 0))
        def _():
            copy(c2, 0, sem0).start()

        @pl.when((c2 < NCH) & (par == 1))
        def _():
            copy(c2, 1, sem1).start()

        return carry

    lax.fori_loop(0, NCH, chunk_body, 0)

    for j in range(K):
        pltpu.sync_copy(
            stage.at[pl.ds(j * RPW, RPW)],
            out_hbm.at[b_idx, j, pl.ds(d0, RPW)],
        )


@functools.partial(
    pl.kernel,
    out_type=jax.ShapeDtypeStruct((B, K, D), jnp.float32),
    mesh=plsc.VectorSubcoreMesh(core_axis_name="c", subcore_axis_name="s"),
    compiler_params=pltpu.CompilerParams(needs_layout_passes=False),
    scratch_types=[
        pltpu.VMEM((2, CR, N), jnp.float32),
        pltpu.VMEM((K * RPW,), jnp.float32),
        pltpu.SemaphoreType.DMA,
        pltpu.SemaphoreType.DMA,
    ],
)
def _sc_topk(x_hbm, out_hbm, buf, stage, sem0, sem1):
    _sc_body(x_hbm, out_hbm, buf, stage, sem0, sem1)


def kernel(inputs):
    return _sc_topk(inputs)

# --- scband reference (transcript-rebuilt; emitter-appended) ---
"""Pipeline reference for scband-kmax-pooling-41515153883428 (READ-ONLY COPY).

The authoritative reference and input builder live on the scoring server;
editing this copy changes nothing except your own understanding.
"""

import jax, jax.numpy as jnp
import numpy as np

K_TOP = 8

def setup_inputs(seed: int = 0) -> dict:
    key = jax.random.key(seed)
    inputs = jax.random.normal(key, (4, 2048, 8192), dtype=jnp.float32)
    return {"inputs": inputs}

def reference(inputs):
    # tf.nn.top_k over last axis, sorted=True, take values only
    top_k_vals, _ = jax.lax.top_k(inputs, K_TOP)  # [B, D, k]
    # tf.transpose(top_k, [0, 2, 1]) -> [B, k, D]
    shifted_output = jnp.transpose(top_k_vals, (0, 2, 1))
    return shifted_output

if __name__ == "__main__":
    import jax
    _d = setup_inputs()
    print(jax.jit(kernel)(*tuple(_d.values())))

</pallas_src>

<mosaic_0001>
#map = affine_map<(d0, d1) -> (0, 0, 0)>
module attributes {stable_mosaic.version = 14 : i64} {
  func.func @_sc_topk(%arg0: i32, %arg1: i32, %arg2: memref<4x2048x8192xf32, #tpu.memory_space<hbm>>, %arg3: memref<4x8x2048xf32, #tpu.memory_space<hbm>>, %arg4: memref<2x4x8192xf32, #tpu.memory_space<vmem>>, %arg5: memref<2048xf32, #tpu.memory_space<vmem>>, %arg6: memref<!tpu.dma_semaphore, #tpu.memory_space<semaphore_mem>>, %arg7: memref<!tpu.dma_semaphore, #tpu.memory_space<semaphore_mem>>) attributes {dimension_semantics = [#tpu.dimension_semantics<core_parallel>, #tpu.dimension_semantics<subcore_parallel>], iteration_bounds = array<i64: 2, 16>, scalar_prefetch = 0 : i64, scratch_operands = 4 : i64, tpu.core_type = #tpu.core_type<sc_vector_subcore>, window_params = [{transform_indices = #map}, {transform_indices = #map}]} {
    %mul3A = arith.constant 2 : i32
    %mul3A_0 = arith.muli %arg1, %mul3A : i32
    %add3A = arith.addi %mul3A_0, %arg0 : i32
    %mul3A_1 = arith.constant 256 : i32
    %mul3A_2 = arith.muli %add3A, %mul3A_1 : i32
    %mul3A_3 = arith.constant 8192 : i32
    %mul3A_4 = arith.muli %mul3A_2, %mul3A_3 : i32
    %jit3A = arith.constant 8 : i32
    %div3A = arith.divsi %add3A, %jit3A : i32
    %sign3A = arith.constant 0 : i32
    %sign3A_5 = arith.cmpi sgt, %add3A, %sign3A : i32
    %sign3A_6 = arith.extui %sign3A_5 : i1 to i32
    %sign3A_7 = arith.constant 0 : i32
    %sign3A_8 = arith.cmpi slt, %add3A, %sign3A_7 : i32
    %sign3A_9 = arith.extui %sign3A_8 : i1 to i32
    %sign3A_10 = arith.subi %sign3A_6, %sign3A_9 : i32
    %sign3A_11 = arith.constant 0 : i32
    %sign3A_12 = arith.cmpi sgt, %jit3A, %sign3A_11 : i32
    %sign3A_13 = arith.extui %sign3A_12 : i1 to i32
    %sign3A_14 = arith.constant 0 : i32
    %sign3A_15 = arith.cmpi slt, %jit3A, %sign3A_14 : i32
    %sign3A_16 = arith.extui %sign3A_15 : i1 to i32
    %sign3A_17 = arith.subi %sign3A_13, %sign3A_16 : i32
    %ne3A = arith.cmpi ne, %sign3A_10, %sign3A_17 : i32
    %rem3A = arith.remsi %add3A, %jit3A : i32
    %ne3A_18 = arith.constant 0 : i32
    %ne3A_19 = arith.cmpi ne, %rem3A, %ne3A_18 : i32
    %and3A = arith.andi %ne3A, %ne3A_19 : i1
    %sub3A = arith.constant 1 : i32
    %sub3A_20 = arith.subi %div3A, %sub3A : i32
    %select_n3A = arith.select %and3A, %sub3A_20, %div3A : i32
    %jit3A_21 = arith.constant 8 : i32
    %eq3A = arith.constant 0 : i32
    %eq3A_22 = arith.cmpi eq, %jit3A_21, %eq3A : i32
    %jit3A_23 = arith.constant 1 : i32
    %select_n3A_24 = arith.select %eq3A_22, %jit3A_23, %jit3A_21 : i32
    %rem3A_25 = arith.remsi %add3A, %select_n3A_24 : i32
    %ne3A_26 = arith.constant 0 : i32
    %ne3A_27 = arith.cmpi ne, %rem3A_25, %ne3A_26 : i32
    %lt3A = arith.constant 0 : i32
    %lt3A_28 = arith.cmpi slt, %rem3A_25, %lt3A : i32
    %lt3A_29 = arith.constant 0 : i32
    %lt3A_30 = arith.cmpi slt, %select_n3A_24, %lt3A_29 : i32
    %ne3A_31 = arith.xori %lt3A_28, %lt3A_30 : i1
    %and3A_32 = arith.andi %ne3A_31, %ne3A_27 : i1
    %add3A_33 = arith.addi %rem3A_25, %select_n3A_24 : i32
    %select_n3A_34 = arith.select %and3A_32, %add3A_33, %rem3A_25 : i32
    %mul3A_35 = arith.constant 256 : i32
    %mul3A_36 = arith.muli %select_n3A_34, %mul3A_35 : i32
    %iota3A = tpu.iota {dimensions = array<i32: 0>} : vector<16xi32>
    %lt3A_37 = arith.constant 8 : i32
    %lt3A_38 = vector.broadcast %lt3A_37 : i32 to vector<16xi32>
    %lt3A_39 = arith.cmpi slt, %iota3A, %lt3A_38 : vector<16xi32>
    %broadcast_in_dim3A = arith.constant 0xFF800000 : f32
    %broadcast_in_dim3A_40 = vector.broadcast %broadcast_in_dim3A : f32 to vector<16xf32>
    %add3A_41 = arith.constant 0 : i32
    %add3A_42 = arith.addi %mul3A_36, %add3A_41 : i32
    %dma_start3A = arith.constant 0 : i32
    %dma_start3A_43 = arith.constant 0 : i32
    %dma_start3A_44 = arith.constant 0 : i32
    %dma_start3A_45 = tpu.memref_slice %arg4[%dma_start3A, %dma_start3A_43, %dma_start3A_44] : memref<2x4x8192xf32, #tpu.memory_space<vmem>> -> memref<1x4x8192xf32, #tpu.memory_space<vmem>>
    %dma_start3A_46 = tpu.memref_squeeze %dma_start3A_45 : memref<1x4x8192xf32, #tpu.memory_space<vmem>> -> memref<4x8192xf32, #tpu.memory_space<vmem>>
    %dma_start3A_47 = arith.constant 0 : i32
    %dma_start3A_48 = tpu.memref_slice %arg2[%select_n3A, %add3A_42, %dma_start3A_47] : memref<4x2048x8192xf32, #tpu.memory_space<hbm>> -> memref<1x4x8192xf32, #tpu.memory_space<hbm>>
    %dma_start3A_49 = tpu.memref_squeeze %dma_start3A_48 : memref<1x4x8192xf32, #tpu.memory_space<hbm>> -> memref<4x8192xf32, #tpu.memory_space<hbm>>
    %dma_start3A_50 = arith.constant 0 : i32
    %dma_start3A_51 = arith.constant 0 : i32
    %dma_start3A_52 = tpu.memref_slice %arg4[%dma_start3A, %dma_start3A_50, %dma_start3A_51] : memref<2x4x8192xf32, #tpu.memory_space<vmem>> -> memref<1x4x8192xf32, #tpu.memory_space<vmem>>
    %dma_start3A_53 = tpu.memref_squeeze %dma_start3A_52 : memref<1x4x8192xf32, #tpu.memory_space<vmem>> -> memref<4x8192xf32, #tpu.memory_space<vmem>>
    %dma_start3A_54 = arith.constant 0 : i32
    %dma_start3A_55 = tpu.memref_slice %arg2[%select_n3A, %add3A_42, %dma_start3A_54] : memref<4x2048x8192xf32, #tpu.memory_space<hbm>> -> memref<1x4x8192xf32, #tpu.memory_space<hbm>>
    %dma_start3A_56 = tpu.memref_squeeze %dma_start3A_55 : memref<1x4x8192xf32, #tpu.memory_space<hbm>> -> memref<4x8192xf32, #tpu.memory_space<hbm>>
    tpu.enqueue_dma source(%dma_start3A_56 : memref<4x8192xf32, #tpu.memory_space<hbm>>) target(%dma_start3A_53 : memref<4x8192xf32, #tpu.memory_space<vmem>>) target_semaphore(%arg6 : memref<!tpu.dma_semaphore, #tpu.memory_space<semaphore_mem>>)
    %add3A_57 = arith.constant 4 : i32
    %add3A_58 = arith.addi %mul3A_36, %add3A_57 : i32
    %dma_start3A_59 = arith.constant 1 : i32
    %dma_start3A_60 = arith.constant 0 : i32
    %dma_start3A_61 = arith.constant 0 : i32
    %dma_start3A_62 = tpu.memref_slice %arg4[%dma_start3A_59, %dma_start3A_60, %dma_start3A_61] : memref<2x4x8192xf32, #tpu.memory_space<vmem>> -> memref<1x4x8192xf32, #tpu.memory_space<vmem>>
    %dma_start3A_63 = tpu.memref_squeeze %dma_start3A_62 : memref<1x4x8192xf32, #tpu.memory_space<vmem>> -> memref<4x8192xf32, #tpu.memory_space<vmem>>
    %dma_start3A_64 = arith.constant 0 : i32
    %dma_start3A_65 = tpu.memref_slice %arg2[%select_n3A, %add3A_58, %dma_start3A_64] : memref<4x2048x8192xf32, #tpu.memory_space<hbm>> -> memref<1x4x8192xf32, #tpu.memory_space<hbm>>
    %dma_start3A_66 = tpu.memref_squeeze %dma_start3A_65 : memref<1x4x8192xf32, #tpu.memory_space<hbm>> -> memref<4x8192xf32, #tpu.memory_space<hbm>>
    %dma_start3A_67 = arith.constant 0 : i32
    %dma_start3A_68 = arith.constant 0 : i32
    %dma_start3A_69 = tpu.memref_slice %arg4[%dma_start3A_59, %dma_start3A_67, %dma_start3A_68] : memref<2x4x8192xf32, #tpu.memory_space<vmem>> -> memref<1x4x8192xf32, #tpu.memory_space<vmem>>
    %dma_start3A_70 = tpu.memref_squeeze %dma_start3A_69 : memref<1x4x8192xf32, #tpu.memory_space<vmem>> -> memref<4x8192xf32, #tpu.memory_space<vmem>>
    %dma_start3A_71 = arith.constant 0 : i32
    %dma_start3A_72 = tpu.memref_slice %arg2[%select_n3A, %add3A_58, %dma_start3A_71] : memref<4x2048x8192xf32, #tpu.memory_space<hbm>> -> memref<1x4x8192xf32, #tpu.memory_space<hbm>>
    %dma_start3A_73 = tpu.memref_squeeze %dma_start3A_72 : memref<1x4x8192xf32, #tpu.memory_space<hbm>> -> memref<4x8192xf32, #tpu.memory_space<hbm>>
    tpu.enqueue_dma source(%dma_start3A_73 : memref<4x8192xf32, #tpu.memory_space<hbm>>) target(%dma_start3A_70 : memref<4x8192xf32, #tpu.memory_space<vmem>>) target_semaphore(%arg7 : memref<!tpu.dma_semaphore, #tpu.memory_space<semaphore_mem>>)
    %scan3A = arith.constant 0 : i32
    %scan3A_74 = arith.constant 0 : i32
    %scan3A_75 = arith.constant 64 : i32
    %scan3A_76 = arith.addi %scan3A_74, %scan3A_75 : i32
    %scan3A_77 = arith.constant 1 : i32
    scf.for %scan3A_86 = %scan3A_74 to %scan3A_76 step %scan3A_77  : i32 {
      %and3A_87 = arith.constant 1 : i32
      %and3A_88 = arith.andi %scan3A_86, %and3A_87 : i32
      %eq3A_89 = arith.constant 0 : i32
      %eq3A_90 = arith.cmpi eq, %and3A_88, %eq3A_89 : i32
      %convert_element_type3A = arith.extui %eq3A_90 : i1 to i32
      %cond3A = arith.constant 0 : i32
      %cond3A_91 = arith.cmpi ne, %convert_element_type3A, %cond3A : i32
      scf.if %cond3A_91 {
        %mul3A_122 = arith.constant 4 : i32
        %mul3A_123 = arith.muli %scan3A_86, %mul3A_122 : i32
        %add3A_124 = arith.addi %mul3A_36, %mul3A_123 : i32
        %dma_wait3A = arith.constant 0 : i32
        %dma_wait3A_125 = arith.constant 0 : i32
        %dma_wait3A_126 = arith.constant 0 : i32
        %dma_wait3A_127 = tpu.memref_slice %arg4[%dma_wait3A, %dma_wait3A_125, %dma_wait3A_126] : memref<2x4x8192xf32, #tpu.memory_space<vmem>> -> memref<1x4x8192xf32, #tpu.memory_space<vmem>>
        %dma_wait3A_128 = tpu.memref_squeeze %dma_wait3A_127 : memref<1x4x8192xf32, #tpu.memory_space<vmem>> -> memref<4x8192xf32, #tpu.memory_space<vmem>>
        %dma_wait3A_129 = arith.constant 0 : i32
        %dma_wait3A_130 = tpu.memref_slice %arg2[%select_n3A, %add3A_124, %dma_wait3A_129] : memref<4x2048x8192xf32, #tpu.memory_space<hbm>> -> memref<1x4x8192xf32, #tpu.memory_space<hbm>>
        %dma_wait3A_131 = tpu.memref_squeeze %dma_wait3A_130 : memref<1x4x8192xf32, #tpu.memory_space<hbm>> -> memref<4x8192xf32, #tpu.memory_space<hbm>>
        %dma_wait3A_132 = arith.constant 0 : i32
        %dma_wait3A_133 = arith.constant 0 : i32
        %dma_wait3A_134 = tpu.memref_slice %arg4[%dma_wait3A, %dma_wait3A_132, %dma_wait3A_133] : memref<2x4x8192xf32, #tpu.memory_space<vmem>> -> memref<1x4x8192xf32, #tpu.memory_space<vmem>>
        %dma_wait3A_135 = tpu.memref_squeeze %dma_wait3A_134 : memref<1x4x8192xf32, #tpu.memory_space<vmem>> -> memref<4x8192xf32, #tpu.memory_space<vmem>>
        %dma_wait3A_136 = arith.constant 0 : i32
        %dma_wait3A_137 = tpu.memref_slice %arg2[%select_n3A, %add3A_124, %dma_wait3A_136] : memref<4x2048x8192xf32, #tpu.memory_space<hbm>> -> memref<1x4x8192xf32, #tpu.memory_space<hbm>>
        %dma_wait3A_138 = tpu.memref_squeeze %dma_wait3A_137 : memref<1x4x8192xf32, #tpu.memory_space<hbm>> -> memref<4x8192xf32, #tpu.memory_space<hbm>>
        tpu.wait_dma2 semaphore(%arg6 : memref<!tpu.dma_semaphore, #tpu.memory_space<semaphore_mem>>) src(%dma_wait3A_138 : memref<4x8192xf32, #tpu.memory_space<hbm>>) dst(%dma_wait3A_135 : memref<4x8192xf32, #tpu.memory_space<vmem>>)
      } else {
      }
      %eq3A_92 = arith.constant 1 : i32
      %eq3A_93 = arith.cmpi eq, %and3A_88, %eq3A_92 : i32
      %convert_element_type3A_94 = arith.extui %eq3A_93 : i1 to i32
      %cond3A_95 = arith.constant 0 : i32
      %cond3A_96 = arith.cmpi ne, %convert_element_type3A_94, %cond3A_95 : i32
      scf.if %cond3A_96 {
        %mul3A_122 = arith.constant 4 : i32
        %mul3A_123 = arith.muli %scan3A_86, %mul3A_122 : i32
        %add3A_124 = arith.addi %mul3A_36, %mul3A_123 : i32
        %dma_wait3A = arith.constant 1 : i32
        %dma_wait3A_125 = arith.constant 0 : i32
        %dma_wait3A_126 = arith.constant 0 : i32
        %dma_wait3A_127 = tpu.memref_slice %arg4[%dma_wait3A, %dma_wait3A_125, %dma_wait3A_126] : memref<2x4x8192xf32, #tpu.memory_space<vmem>> -> memref<1x4x8192xf32, #tpu.memory_space<vmem>>
        %dma_wait3A_128 = tpu.memref_squeeze %dma_wait3A_127 : memref<1x4x8192xf32, #tpu.memory_space<vmem>> -> memref<4x8192xf32, #tpu.memory_space<vmem>>
        %dma_wait3A_129 = arith.constant 0 : i32
        %dma_wait3A_130 = tpu.memref_slice %arg2[%select_n3A, %add3A_124, %dma_wait3A_129] : memref<4x2048x8192xf32, #tpu.memory_space<hbm>> -> memref<1x4x8192xf32, #tpu.memory_space<hbm>>
        %dma_wait3A_131 = tpu.memref_squeeze %dma_wait3A_130 : memref<1x4x8192xf32, #tpu.memory_space<hbm>> -> memref<4x8192xf32, #tpu.memory_space<hbm>>
        %dma_wait3A_132 = arith.constant 0 : i32
        %dma_wait3A_133 = arith.constant 0 : i32
        %dma_wait3A_134 = tpu.memref_slice %arg4[%dma_wait3A, %dma_wait3A_132, %dma_wait3A_133] : memref<2x4x8192xf32, #tpu.memory_space<vmem>> -> memref<1x4x8192xf32, #tpu.memory_space<vmem>>
        %dma_wait3A_135 = tpu.memref_squeeze %dma_wait3A_134 : memref<1x4x8192xf32, #tpu.memory_space<vmem>> -> memref<4x8192xf32, #tpu.memory_space<vmem>>
        %dma_wait3A_136 = arith.constant 0 : i32
        %dma_wait3A_137 = tpu.memref_slice %arg2[%select_n3A, %add3A_124, %dma_wait3A_136] : memref<4x2048x8192xf32, #tpu.memory_space<hbm>> -> memref<1x4x8192xf32, #tpu.memory_space<hbm>>
        %dma_wait3A_138 = tpu.memref_squeeze %dma_wait3A_137 : memref<1x4x8192xf32, #tpu.memory_space<hbm>> -> memref<4x8192xf32, #tpu.memory_space<hbm>>
        tpu.wait_dma2 semaphore(%arg7 : memref<!tpu.dma_semaphore, #tpu.memory_space<semaphore_mem>>) src(%dma_wait3A_138 : memref<4x8192xf32, #tpu.memory_space<hbm>>) dst(%dma_wait3A_135 : memref<4x8192xf32, #tpu.memory_space<vmem>>)
      } else {
      }
      %scan3A_97 = arith.constant 0 : i32
      %scan3A_98 = arith.constant 0 : i32
      %scan3A_99 = arith.constant 4 : i32
      %scan3A_100 = arith.addi %scan3A_98, %scan3A_99 : i32
      %scan3A_101 = arith.constant 1 : i32
      %scan3A_102 = scf.for %scan3A_122 = %scan3A_98 to %scan3A_100 step %scan3A_101 iter_args(%scan3A_123 = %scan3A_97) -> (i32)  : i32 {
        %scan3A_124 = arith.constant 0 : i32
        %scan3A_125 = arith.constant 32 : i32
        %scan3A_126 = arith.addi %scan3A_124, %scan3A_125 : i32
        %scan3A_127 = arith.constant 2 : i32
        %scan3A_128:16 = scf.for %scan3A_290 = %scan3A_124 to %scan3A_126 step %scan3A_127 iter_args(%scan3A_291 = %broadcast_in_dim3A_40, %scan3A_292 = %broadcast_in_dim3A_40, %scan3A_293 = %broadcast_in_dim3A_40, %scan3A_294 = %broadcast_in_dim3A_40, %scan3A_295 = %broadcast_in_dim3A_40, %scan3A_296 = %broadcast_in_dim3A_40, %scan3A_297 = %broadcast_in_dim3A_40, %scan3A_298 = %broadcast_in_dim3A_40, %scan3A_299 = %broadcast_in_dim3A_40, %scan3A_300 = %broadcast_in_dim3A_40, %scan3A_301 = %broadcast_in_dim3A_40, %scan3A_302 = %broadcast_in_dim3A_40, %scan3A_303 = %broadcast_in_dim3A_40, %scan3A_304 = %broadcast_in_dim3A_40, %scan3A_305 = %broadcast_in_dim3A_40, %scan3A_306 = %broadcast_in_dim3A_40) -> (vector<16xf32>, vector<16xf32>, vector<16xf32>, vector<16xf32>, vector<16xf32>, vector<16xf32>, vector<16xf32>, vector<16xf32>, vector<16xf32>, vector<16xf32>, vector<16xf32>, vector<16xf32>, vector<16xf32>, vector<16xf32>, vector<16xf32>, vector<16xf32>)  : i32 {
          %mul3A_307 = arith.constant 256 : i32
          %mul3A_308 = arith.muli %scan3A_290, %mul3A_307 : i32
          %add3A_309 = arith.constant 0 : i32
          %add3A_310 = arith.addi %mul3A_308, %add3A_309 : i32
          %get3A = arith.index_cast %and3A_88 : i32 to index
          %get3A_311 = arith.index_cast %scan3A_122 : i32 to index
          %get3A_312 = arith.index_cast %add3A_310 : i32 to index
          %get3A_313 = tpu.vector_load %arg4[%get3A, %get3A_311, %get3A_312] {strides = array<i32>} : memref<2x4x8192xf32, #tpu.memory_space<vmem>>, vector<16xf32>,
          %add3A_314 = arith.constant 16 : i32
          %add3A_315 = arith.addi %mul3A_308, %add3A_314 : i32
          %get3A_316 = arith.index_cast %and3A_88 : i32 to index
          %get3A_317 = arith.index_cast %scan3A_122 : i32 to index
          %get3A_318 = arith.index_cast %add3A_315 : i32 to index
          %get3A_319 = tpu.vector_load %arg4[%get3A_316, %get3A_317, %get3A_318] {strides = array<i32>} : memref<2x4x8192xf32, #tpu.memory_space<vmem>>, vector<16xf32>,
          %add3A_320 = arith.constant 32 : i32
          %add3A_321 = arith.addi %mul3A_308, %add3A_320 : i32
          %get3A_322 = arith.index_cast %and3A_88 : i32 to index
          %get3A_323 = arith.index_cast %scan3A_122 : i32 to index
          %get3A_324 = arith.index_cast %add3A_321 : i32 to index
          %get3A_325 = tpu.vector_load %arg4[%get3A_322, %get3A_323, %get3A_324] {strides = array<i32>} : memref<2x4x8192xf32, #tpu.memory_space<vmem>>, vector<16xf32>,
          %add3A_326 = arith.constant 48 : i32
          %add3A_327 = arith.addi %mul3A_308, %add3A_326 : i32
          %get3A_328 = arith.index_cast %and3A_88 : i32 to index
          %get3A_329 = arith.index_cast %scan3A_122 : i32 to index
          %get3A_330 = arith.index_cast %add3A_327 : i32 to index
          %get3A_331 = tpu.vector_load %arg4[%get3A_328, %get3A_329, %get3A_330] {strides = array<i32>} : memref<2x4x8192xf32, #tpu.memory_space<vmem>>, vector<16xf32>,
          %add3A_332 = arith.constant 64 : i32
          %add3A_333 = arith.addi %mul3A_308, %add3A_332 : i32
          %get3A_334 = arith.index_cast %and3A_88 : i32 to index
          %get3A_335 = arith.index_cast %scan3A_122 : i32 to index
          %get3A_336 = arith.index_cast %add3A_333 : i32 to index
          %get3A_337 = tpu.vector_load %arg4[%get3A_334, %get3A_335, %get3A_336] {strides = array<i32>} : memref<2x4x8192xf32, #tpu.memory_space<vmem>>, vector<16xf32>,
          %add3A_338 = arith.constant 80 : i32
          %add3A_339 = arith.addi %mul3A_308, %add3A_338 : i32
          %get3A_340 = arith.index_cast %and3A_88 : i32 to index
          %get3A_341 = arith.index_cast %scan3A_122 : i32 to index
          %get3A_342 = arith.index_cast %add3A_339 : i32 to index
          %get3A_343 = tpu.vector_load %arg4[%get3A_340, %get3A_341, %get3A_342] {strides = array<i32>} : memref<2x4x8192xf32, #tpu.memory_space<vmem>>, vector<16xf32>,
          %add3A_344 = arith.constant 96 : i32
          %add3A_345 = arith.addi %mul3A_308, %add3A_344 : i32
          %get3A_346 = arith.index_cast %and3A_88 : i32 to index
          %get3A_347 = arith.index_cast %scan3A_122 : i32 to index
          %get3A_348 = arith.index_cast %add3A_345 : i32 to index
          %get3A_349 = tpu.vector_load %arg4[%get3A_346, %get3A_347, %get3A_348] {strides = array<i32>} : memref<2x4x8192xf32, #tpu.memory_space<vmem>>, vector<16xf32>,
          %add3A_350 = arith.constant 112 : i32
          %add3A_351 = arith.addi %mul3A_308, %add3A_350 : i32
          %get3A_352 = arith.index_cast %and3A_88 : i32 to index
          %get3A_353 = arith.index_cast %scan3A_122 : i32 to index
          %get3A_354 = arith.index_cast %add3A_351 : i32 to index
          %get3A_355 = tpu.vector_load %arg4[%get3A_352, %get3A_353, %get3A_354] {strides = array<i32>} : memref<2x4x8192xf32, #tpu.memory_space<vmem>>, vector<16xf32>,
          %max3A_356 = arith.maximumf %get3A_313, %get3A_319 : vector<16xf32>
          %min3A_357 = arith.minimumf %get3A_313, %get3A_319 : vector<16xf32>
          %max3A_358 = arith.maximumf %get3A_325, %get3A_331 : vector<16xf32>
          %min3A_359 = arith.minimumf %get3A_325, %get3A_331 : vector<16xf32>
          %max3A_360 = arith.maximumf %get3A_337, %get3A_343 : vector<16xf32>
          %min3A_361 = arith.minimumf %get3A_337, %get3A_343 : vector<16xf32>
          %max3A_362 = arith.maximumf %get3A_349, %get3A_355 : vector<16xf32>
          %min3A_363 = arith.minimumf %get3A_349, %get3A_355 : vector<16xf32>
          %max3A_364 = arith.maximumf %max3A_356, %max3A_358 : vector<16xf32>
          %min3A_365 = arith.minimumf %max3A_356, %max3A_358 : vector<16xf32>
          %max3A_366 = arith.maximumf %min3A_357, %min3A_359 : vector<16xf32>
          %min3A_367 = arith.minimumf %min3A_357, %min3A_359 : vector<16xf32>
          %max3A_368 = arith.maximumf %max3A_360, %max3A_362 : vector<16xf32>
          %min3A_369 = arith.minimumf %max3A_360, %max3A_362 : vector<16xf32>
          %max3A_370 = arith.maximumf %min3A_361, %min3A_363 : vector<16xf32>
          %min3A_371 = arith.minimumf %min3A_361, %min3A_363 : vector<16xf32>
          %max3A_372 = arith.maximumf %max3A_366, %min3A_365 : vector<16xf32>
          %min3A_373 = arith.minimumf %max3A_366, %min3A_365 : vector<16xf32>
          %max3A_374 = arith.maximumf %max3A_370, %min3A_369 : vector<16xf32>
          %min3A_375 = arith.minimumf %max3A_370, %min3A_369 : vector<16xf32>
          %max3A_376 = arith.maximumf %max3A_364, %max3A_368 : vector<16xf32>
          %min3A_377 = arith.minimumf %max3A_364, %max3A_368 : vector<16xf32>
          %max3A_378 = arith.maximumf %min3A_367, %min3A_371 : vector<16xf32>
          %min3A_379 = arith.minimumf %min3A_367, %min3A_371 : vector<16xf32>
          %max3A_380 = arith.maximumf %max3A_372, %max3A_374 : vector<16xf32>
          %min3A_381 = arith.minimumf %max3A_372, %max3A_374 : vector<16xf32>
          %max3A_382 = arith.maximumf %min3A_373, %min3A_375 : vector<16xf32>
          %min3A_383 = arith.minimumf %min3A_373, %min3A_375 : vector<16xf32>
          %max3A_384 = arith.maximumf %max3A_380, %min3A_377 : vector<16xf32>
          %min3A_385 = arith.minimumf %max3A_380, %min3A_377 : vector<16xf32>
          %max3A_386 = arith.maximumf %max3A_378, %min3A_383 : vector<16xf32>
          %min3A_387 = arith.minimumf %max3A_378, %min3A_383 : vector<16xf32>
          %max3A_388 = arith.maximumf %max3A_382, %min3A_385 : vector<16xf32>
          %min3A_389 = arith.minimumf %max3A_382, %min3A_385 : vector<16xf32>
          %max3A_390 = arith.maximumf %max3A_386, %min3A_381 : vector<16xf32>
          %min3A_391 = arith.minimumf %max3A_386, %min3A_381 : vector<16xf32>
          %max3A_392 = arith.maximumf %max3A_390, %min3A_389 : vector<16xf32>
          %min3A_393 = arith.minimumf %max3A_390, %min3A_389 : vector<16xf32>
          %max3A_394 = arith.maximumf %scan3A_291, %min3A_379 : vector<16xf32>
          %max3A_395 = arith.maximumf %scan3A_292, %min3A_387 : vector<16xf32>
          %max3A_396 = arith.maximumf %scan3A_293, %min3A_391 : vector<16xf32>
          %max3A_397 = arith.maximumf %scan3A_294, %min3A_393 : vector<16xf32>
          %max3A_398 = arith.maximumf %scan3A_295, %max3A_392 : vector<16xf32>
          %max3A_399 = arith.maximumf %scan3A_296, %max3A_388 : vector<16xf32>
          %max3A_400 = arith.maximumf %scan3A_297, %max3A_384 : vector<16xf32>
          %max3A_401 = arith.maximumf %scan3A_298, %max3A_376 : vector<16xf32>
          %max3A_402 = arith.maximumf %max3A_394, %max3A_398 : vector<16xf32>
          %min3A_403 = arith.minimumf %max3A_394, %max3A_398 : vector<16xf32>
          %max3A_404 = arith.maximumf %max3A_395, %max3A_399 : vector<16xf32>
          %min3A_405 = arith.minimumf %max3A_395, %max3A_399 : vector<16xf32>
          %max3A_406 = arith.maximumf %max3A_396, %max3A_400 : vector<16xf32>
          %min3A_407 = arith.minimumf %max3A_396, %max3A_400 : vector<16xf32>
          %max3A_408 = arith.maximumf %max3A_397, %max3A_401 : vector<16xf32>
          %min3A_409 = arith.minimumf %max3A_397, %max3A_401 : vector<16xf32>
          %max3A_410 = arith.maximumf %max3A_402, %max3A_406 : vector<16xf32>
          %min3A_411 = arith.minimumf %max3A_402, %max3A_406 : vector<16xf32>
          %max3A_412 = arith.maximumf %max3A_404, %max3A_408 : vector<16xf32>
          %min3A_413 = arith.minimumf %max3A_404, %max3A_408 : vector<16xf32>
          %max3A_414 = arith.maximumf %min3A_403, %min3A_407 : vector<16xf32>
          %min3A_415 = arith.minimumf %min3A_403, %min3A_407 : vector<16xf32>
          %max3A_416 = arith.maximumf %min3A_405, %min3A_409 : vector<16xf32>
          %min3A_417 = arith.minimumf %min3A_405, %min3A_409 : vector<16xf32>
          %max3A_418 = arith.maximumf %max3A_410, %max3A_412 : vector<16xf32>
          %min3A_419 = arith.minimumf %max3A_410, %max3A_412 : vector<16xf32>
          %max3A_420 = arith.maximumf %min3A_411, %min3A_413 : vector<16xf32>
          %min3A_421 = arith.minimumf %min3A_411, %min3A_413 : vector<16xf32>
          %max3A_422 = arith.maximumf %max3A_414, %max3A_416 : vector<16xf32>
          %min3A_423 = arith.minimumf %max3A_414, %max3A_416 : vector<16xf32>
          %max3A_424 = arith.maximumf %min3A_415, %min3A_417 : vector<16xf32>
          %min3A_425 = arith.minimumf %min3A_415, %min3A_417 : vector<16xf32>
          %add3A_426 = arith.constant 128 : i32
          %add3A_427 = arith.addi %mul3A_308, %add3A_426 : i32
          %add3A_428 = arith.constant 0 : i32
          %add3A_429 = arith.addi %add3A_427, %add3A_428 : i32
          %get3A_430 = arith.index_cast %and3A_88 : i32 to index
          %get3A_431 = arith.index_cast %scan3A_122 : i32 to index
          %get3A_432 = arith.index_cast %add3A_429 : i32 to index
          %get3A_433 = tpu.vector_load %arg4[%get3A_430, %get3A_431, %get3A_432] {strides = array<i32>} : memref<2x4x8192xf32, #tpu.memory_space<vmem>>, vector<16xf32>,
          %add3A_434 = arith.constant 16 : i32
          %add3A_435 = arith.addi %add3A_427, %add3A_434 : i32
          %get3A_436 = arith.index_cast %and3A_88 : i32 to index
          %get3A_437 = arith.index_cast %scan3A_122 : i32 to index
          %get3A_438 = arith.index_cast %add3A_435 : i32 to index
          %get3A_439 = tpu.vector_load %arg4[%get3A_436, %get3A_437, %get3A_438] {strides = array<i32>} : memref<2x4x8192xf32, #tpu.memory_space<vmem>>, vector<16xf32>,
          %add3A_440 = arith.constant 32 : i32
          %add3A_441 = arith.addi %add3A_427, %add3A_440 : i32
          %get3A_442 = arith.index_cast %and3A_88 : i32 to index
          %get3A_443 = arith.index_cast %scan3A_122 : i32 to index
          %get3A_444 = arith.index_cast %add3A_441 : i32 to index
          %get3A_445 = tpu.vector_load %arg4[%get3A_442, %get3A_443, %get3A_444] {strides = array<i32>} : memref<2x4x8192xf32, #tpu.memory_space<vmem>>, vector<16xf32>,
          %add3A_446 = arith.constant 48 : i32
          %add3A_447 = arith.addi %add3A_427, %add3A_446 : i32
          %get3A_448 = arith.index_cast %and3A_88 : i32 to index
          %get3A_449 = arith.index_cast %scan3A_122 : i32 to index
          %get3A_450 = arith.index_cast %add3A_447 : i32 to index
          %get3A_451 = tpu.vector_load %arg4[%get3A_448, %get3A_449, %get3A_450] {strides = array<i32>} : memref<2x4x8192xf32, #tpu.memory_space<vmem>>, vector<16xf32>,
          %add3A_452 = arith.constant 64 : i32
          %add3A_453 = arith.addi %add3A_427, %add3A_452 : i32
          %get3A_454 = arith.index_cast %and3A_88 : i32 to index
          %get3A_455 = arith.index_cast %scan3A_122 : i32 to index
          %get3A_456 = arith.index_cast %add3A_453 : i32 to index
          %get3A_457 = tpu.vector_load %arg4[%get3A_454, %get3A_455, %get3A_456] {strides = array<i32>} : memref<2x4x8192xf32, #tpu.memory_space<vmem>>, vector<16xf32>,
          %add3A_458 = arith.constant 80 : i32
          %add3A_459 = arith.addi %add3A_427, %add3A_458 : i32
          %get3A_460 = arith.index_cast %and3A_88 : i32 to index
          %get3A_461 = arith.index_cast %scan3A_122 : i32 to index
          %get3A_462 = arith.index_cast %add3A_459 : i32 to index
          %get3A_463 = tpu.vector_load %arg4[%get3A_460, %get3A_461, %get3A_462] {strides = array<i32>} : memref<2x4x8192xf32, #tpu.memory_space<vmem>>, vector<16xf32>,
          %add3A_464 = arith.constant 96 : i32
          %add3A_465 = arith.addi %add3A_427, %add3A_464 : i32
          %get3A_466 = arith.index_cast %and3A_88 : i32 to index
          %get3A_467 = arith.index_cast %scan3A_122 : i32 to index
          %get3A_468 = arith.index_cast %add3A_465 : i32 to index
          %get3A_469 = tpu.vector_load %arg4[%get3A_466, %get3A_467, %get3A_468] {strides = array<i32>} : memref<2x4x8192xf32, #tpu.memory_space<vmem>>, vector<16xf32>,
          %add3A_470 = arith.constant 112 : i32
          %add3A_471 = arith.addi %add3A_427, %add3A_470 : i32
          %get3A_472 = arith.index_cast %and3A_88 : i32 to index
          %get3A_473 = arith.index_cast %scan3A_122 : i32 to index
          %get3A_474 = arith.index_cast %add3A_471 : i32 to index
          %get3A_475 = tpu.vector_load %arg4[%get3A_472, %get3A_473, %get3A_474] {strides = array<i32>} : memref<2x4x8192xf32, #tpu.memory_space<vmem>>, vector<16xf32>,
          %max3A_476 = arith.maximumf %get3A_433, %get3A_439 : vector<16xf32>
          %min3A_477 = arith.minimumf %get3A_433, %get3A_439 : vector<16xf32>
          %max3A_478 = arith.maximumf %get3A_445, %get3A_451 : vector<16xf32>
          %min3A_479 = arith.minimumf %get3A_445, %get3A_451 : vector<16xf32>
          %max3A_480 = arith.maximumf %get3A_457, %get3A_463 : vector<16xf32>
          %min3A_481 = arith.minimumf %get3A_457, %get3A_463 : vector<16xf32>
          %max3A_482 = arith.maximumf %get3A_469, %get3A_475 : vector<16xf32>
          %min3A_483 = arith.minimumf %get3A_469, %get3A_475 : vector<16xf32>
          %max3A_484 = arith.maximumf %max3A_476, %max3A_478 : vector<16xf32>
          %min3A_485 = arith.minimumf %max3A_476, %max3A_478 : vector<16xf32>
          %max3A_486 = arith.maximumf %min3A_477, %min3A_479 : vector<16xf32>
          %min3A_487 = arith.minimumf %min3A_477, %min3A_479 : vector<16xf32>
          %max3A_488 = arith.maximumf %max3A_480, %max3A_482 : vector<16xf32>
          %min3A_489 = arith.minimumf %max3A_480, %max3A_482 : vector<16xf32>
          %max3A_490 = arith.maximumf %min3A_481, %min3A_483 : vector<16xf32>
          %min3A_491 = arith.minimumf %min3A_481, %min3A_483 : vector<16xf32>
          %max3A_492 = arith.maximumf %max3A_486, %min3A_485 : vector<16xf32>
          %min3A_493 = arith.minimumf %max3A_486, %min3A_485 : vector<16xf32>
          %max3A_494 = arith.maximumf %max3A_490, %min3A_489 : vector<16xf32>
          %min3A_495 = arith.minimumf %max3A_490, %min3A_489 : vector<16xf32>
          %max3A_496 = arith.maximumf %max3A_484, %max3A_488 : vector<16xf32>
          %min3A_497 = arith.minimumf %max3A_484, %max3A_488 : vector<16xf32>
          %max3A_498 = arith.maximumf %min3A_487, %min3A_491 : vector<16xf32>
          %min3A_499 = arith.minimumf %min3A_487, %min3A_491 : vector<16xf32>
          %max3A_500 = arith.maximumf %max3A_492, %max3A_494 : vector<16xf32>
          %min3A_501 = arith.minimumf %max3A_492, %max3A_494 : vector<16xf32>
          %max3A_502 = arith.maximumf %min3A_493, %min3A_495 : vector<16xf32>
          %min3A_503 = arith.minimumf %min3A_493, %min3A_495 : vector<16xf32>
          %max3A_504 = arith.maximumf %max3A_500, %min3A_497 : vector<16xf32>
          %min3A_505 = arith.minimumf %max3A_500, %min3A_497 : vector<16xf32>
          %max3A_506 = arith.maximumf %max3A_498, %min3A_503 : vector<16xf32>
          %min3A_507 = arith.minimumf %max3A_498, %min3A_503 : vector<16xf32>
          %max3A_508 = arith.maximumf %max3A_502, %min3A_505 : vector<16xf32>
          %min3A_509 = arith.minimumf %max3A_502, %min3A_505 : vector<16xf32>
          %max3A_510 = arith.maximumf %max3A_506, %min3A_501 : vector<16xf32>
          %min3A_511 = arith.minimumf %max3A_506, %min3A_501 : vector<16xf32>
          %max3A_512 = arith.maximumf %max3A_510, %min3A_509 : vector<16xf32>
          %min3A_513 = arith.minimumf %max3A_510, %min3A_509 : vector<16xf32>
          %max3A_514 = arith.maximumf %scan3A_299, %min3A_499 : vector<16xf32>
          %max3A_515 = arith.maximumf %scan3A_300, %min3A_507 : vector<16xf32>
          %max3A_516 = arith.maximumf %scan3A_301, %min3A_511 : vector<16xf32>
          %max3A_517 = arith.maximumf %scan3A_302, %min3A_513 : vector<16xf32>
          %max3A_518 = arith.maximumf %scan3A_303, %max3A_512 : vector<16xf32>
          %max3A_519 = arith.maximumf %scan3A_304, %max3A_508 : vector<16xf32>
          %max3A_520 = arith.maximumf %scan3A_305, %max3A_504 : vector<16xf32>
          %max3A_521 = arith.maximumf %scan3A_306, %max3A_496 : vector<16xf32>
          %max3A_522 = arith.maximumf %max3A_514, %max3A_518 : vector<16xf32>
          %min3A_523 = arith.minimumf %max3A_514, %max3A_518 : vector<16xf32>
          %max3A_524 = arith.maximumf %max3A_515, %max3A_519 : vector<16xf32>
          %min3A_525 = arith.minimumf %max3A_515, %max3A_519 : vector<16xf32>
          %max3A_526 = arith.maximumf %max3A_516, %max3A_520 : vector<16xf32>
          %min3A_527 = arith.minimumf %max3A_516, %max3A_520 : vector<16xf32>
          %max3A_528 = arith.maximumf %max3A_517, %max3A_521 : vector<16xf32>
          %min3A_529 = arith.minimumf %max3A_517, %max3A_521 : vector<16xf32>
          %max3A_530 = arith.maximumf %max3A_522, %max3A_526 : vector<16xf32>
          %min3A_531 = arith.minimumf %max3A_522, %max3A_526 : vector<16xf32>
          %max3A_532 = arith.maximumf %max3A_524, %max3A_528 : vector<16xf32>
          %min3A_533 = arith.minimumf %max3A_524, %max3A_528 : vector<16xf32>
          %max3A_534 = arith.maximumf %min3A_523, %min3A_527 : vector<16xf32>
          %min3A_535 = arith.minimumf %min3A_523, %min3A_527 : vector<16xf32>
          %max3A_536 = arith.maximumf %min3A_525, %min3A_529 : vector<16xf32>
          %min3A_537 = arith.minimumf %min3A_525, %min3A_529 : vector<16xf32>
          %max3A_538 = arith.maximumf %max3A_530, %max3A_532 : vector<16xf32>
          %min3A_539 = arith.minimumf %max3A_530, %max3A_532 : vector<16xf32>
          %max3A_540 = arith.maximumf %min3A_531, %min3A_533 : vector<16xf32>
          %min3A_541 = arith.minimumf %min3A_531, %min3A_533 : vector<16xf32>
          %max3A_542 = arith.maximumf %max3A_534, %max3A_536 : vector<16xf32>
          %min3A_543 = arith.minimumf %max3A_534, %max3A_536 : vector<16xf32>
          %max3A_544 = arith.maximumf %min3A_535, %min3A_537 : vector<16xf32>
          %min3A_545 = arith.minimumf %min3A_535, %min3A_537 : vector<16xf32>
          %scan3A_546 = arith.constant 1 : i32
          %scan3A_547 = arith.addi %scan3A_290, %scan3A_546 : i32
          %mul3A_548 = arith.constant 256 : i32
          %mul3A_549 = arith.muli %scan3A_547, %mul3A_548 : i32
          %add3A_550 = arith.constant 0 : i32
          %add3A_551 = arith.addi %mul3A_549, %add3A_550 : i32
          %get3A_552 = arith.index_cast %and3A_88 : i32 to index
          %get3A_553 = arith.index_cast %scan3A_122 : i32 to index
          %get3A_554 = arith.index_cast %add3A_551 : i32 to index
          %get3A_555 = tpu.vector_load %arg4[%get3A_552, %get3A_553, %get3A_554] {strides = array<i32>} : memref<2x4x8192xf32, #tpu.memory_space<vmem>>, vector<16xf32>,
          %add3A_556 = arith.constant 16 : i32
          %add3A_557 = arith.addi %mul3A_549, %add3A_556 : i32
          %get3A_558 = arith.index_cast %and3A_88 : i32 to index
          %get3A_559 = arith.index_cast %scan3A_122 : i32 to index
          %get3A_560 = arith.index_cast %add3A_557 : i32 to index
          %get3A_561 = tpu.vector_load %arg4[%get3A_558, %get3A_559, %get3A_560] {strides = array<i32>} : memref<2x4x8192xf32, #tpu.memory_space<vmem>>, vector<16xf32>,
          %add3A_562 = arith.constant 32 : i32
          %add3A_563 = arith.addi %mul3A_549, %add3A_562 : i32
          %get3A_564 = arith.index_cast %and3A_88 : i32 to index
          %get3A_565 = arith.index_cast %scan3A_122 : i32 to index
          %get3A_566 = arith.index_cast %add3A_563 : i32 to index
          %get3A_567 = tpu.vector_load %arg4[%get3A_564, %get3A_565, %get3A_566] {strides = array<i32>} : memref<2x4x8192xf32, #tpu.memory_space<vmem>>, vector<16xf32>,
          %add3A_568 = arith.constant 48 : i32
          %add3A_569 = arith.addi %mul3A_549, %add3A_568 : i32
          %get3A_570 = arith.index_cast %and3A_88 : i32 to index
          %get3A_571 = arith.index_cast %scan3A_122 : i32 to index
          %get3A_572 = arith.index_cast %add3A_569 : i32 to index
          %get3A_573 = tpu.vector_load %arg4[%get3A_570, %get3A_571, %get3A_572] {strides = array<i32>} : memref<2x4x8192xf32, #tpu.memory_space<vmem>>, vector<16xf32>,
          %add3A_574 = arith.constant 64 : i32
          %add3A_575 = arith.addi %mul3A_549, %add3A_574 : i32
          %get3A_576 = arith.index_cast %and3A_88 : i32 to index
          %get3A_577 = arith.index_cast %scan3A_122 : i32 to index
          %get3A_578 = arith.index_cast %add3A_575 : i32 to index
          %get3A_579 = tpu.vector_load %arg4[%get3A_576, %get3A_577, %get3A_578] {strides = array<i32>} : memref<2x4x8192xf32, #tpu.memory_space<vmem>>, vector<16xf32>,
          %add3A_580 = arith.constant 80 : i32
          %add3A_581 = arith.addi %mul3A_549, %add3A_580 : i32
          %get3A_582 = arith.index_cast %and3A_88 : i32 to index
          %get3A_583 = arith.index_cast %scan3A_122 : i32 to index
          %get3A_584 = arith.index_cast %add3A_581 : i32 to index
          %get3A_585 = tpu.vector_load %arg4[%get3A_582, %get3A_583, %get3A_584] {strides = array<i32>} : memref<2x4x8192xf32, #tpu.memory_space<vmem>>, vector<16xf32>,
          %add3A_586 = arith.constant 96 : i32
          %add3A_587 = arith.addi %mul3A_549, %add3A_586 : i32
          %get3A_588 = arith.index_cast %and3A_88 : i32 to index
          %get3A_589 = arith.index_cast %scan3A_122 : i32 to index
          %get3A_590 = arith.index_cast %add3A_587 : i32 to index
          %get3A_591 = tpu.vector_load %arg4[%get3A_588, %get3A_589, %get3A_590] {strides = array<i32>} : memref<2x4x8192xf32, #tpu.memory_space<vmem>>, vector<16xf32>,
          %add3A_592 = arith.constant 112 : i32
          %add3A_593 = arith.addi %mul3A_549, %add3A_592 : i32
          %get3A_594 = arith.index_cast %and3A_88 : i32 to index
          %get3A_595 = arith.index_cast %scan3A_122 : i32 to index
          %get3A_596 = arith.index_cast %add3A_593 : i32 to index
          %get3A_597 = tpu.vector_load %arg4[%get3A_594, %get3A_595, %get3A_596] {strides = array<i32>} : memref<2x4x8192xf32, #tpu.memory_space<vmem>>, vector<16xf32>,
          %max3A_598 = arith.maximumf %get3A_555, %get3A_561 : vector<16xf32>
          %min3A_599 = arith.minimumf %get3A_555, %get3A_561 : vector<16xf32>
          %max3A_600 = arith.maximumf %get3A_567, %get3A_573 : vector<16xf32>
          %min3A_601 = arith.minimumf %get3A_567, %get3A_573 : vector<16xf32>
          %max3A_602 = arith.maximumf %get3A_579, %get3A_585 : vector<16xf32>
          %min3A_603 = arith.minimumf %get3A_579, %get3A_585 : vector<16xf32>
          %max3A_604 = arith.maximumf %get3A_591, %get3A_597 : vector<16xf32>
          %min3A_605 = arith.minimumf %get3A_591, %get3A_597 : vector<16xf32>
          %max3A_606 = arith.maximumf %max3A_598, %max3A_600 : vector<16xf32>
          %min3A_607 = arith.minimumf %max3A_598, %max3A_600 : vector<16xf32>
          %max3A_608 = arith.maximumf %min3A_599, %min3A_601 : vector<16xf32>
          %min3A_609 = arith.minimumf %min3A_599, %min3A_601 : vector<16xf32>
          %max3A_610 = arith.maximumf %max3A_602, %max3A_604 : vector<16xf32>
          %min3A_611 = arith.minimumf %max3A_602, %max3A_604 : vector<16xf32>
          %max3A_612 = arith.maximumf %min3A_603, %min3A_605 : vector<16xf32>
          %min3A_613 = arith.minimumf %min3A_603, %min3A_605 : vector<16xf32>
          %max3A_614 = arith.maximumf %max3A_608, %min3A_607 : vector<16xf32>
          %min3A_615 = arith.minimumf %max3A_608, %min3A_607 : vector<16xf32>
          %max3A_616 = arith.maximumf %max3A_612, %min3A_611 : vector<16xf32>
          %min3A_617 = arith.minimumf %max3A_612, %min3A_611 : vector<16xf32>
          %max3A_618 = arith.maximumf %max3A_606, %max3A_610 : vector<16xf32>
          %min3A_619 = arith.minimumf %max3A_606, %max3A_610 : vector<16xf32>
          %max3A_620 = arith.maximumf %min3A_609, %min3A_613 : vector<16xf32>
          %min3A_621 = arith.minimumf %min3A_609, %min3A_613 : vector<16xf32>
          %max3A_622 = arith.maximumf %max3A_614, %max3A_616 : vector<16xf32>
          %min3A_623 = arith.minimumf %max3A_614, %max3A_616 : vector<16xf32>
          %max3A_624 = arith.maximumf %min3A_615, %min3A_617 : vector<16xf32>
          %min3A_625 = arith.minimumf %min3A_615, %min3A_617 : vector<16xf32>
          %max3A_626 = arith.maximumf %max3A_622, %min3A_619 : vector<16xf32>
          %min3A_627 = arith.minimumf %max3A_622, %min3A_619 : vector<16xf32>
          %max3A_628 = arith.maximumf %max3A_620, %min3A_625 : vector<16xf32>
          %min3A_629 = arith.minimumf %max3A_620, %min3A_625 : vector<16xf32>
          %max3A_630 = arith.maximumf %max3A_624, %min3A_627 : vector<16xf32>
          %min3A_631 = arith.minimumf %max3A_624, %min3A_627 : vector<16xf32>
          %max3A_632 = arith.maximumf %max3A_628, %min3A_623 : vector<16xf32>
          %min3A_633 = arith.minimumf %max3A_628, %min3A_623 : vector<16xf32>
          %max3A_634 = arith.maximumf %max3A_632, %min3A_631 : vector<16xf32>
          %min3A_635 = arith.minimumf %max3A_632, %min3A_631 : vector<16xf32>
          %max3A_636 = arith.maximumf %max3A_418, %min3A_621 : vector<16xf32>
          %max3A_637 = arith.maximumf %min3A_419, %min3A_629 : vector<16xf32>
          %max3A_638 = arith.maximumf %max3A_420, %min3A_633 : vector<16xf32>
          %max3A_639 = arith.maximumf %min3A_421, %min3A_635 : vector<16xf32>
          %max3A_640 = arith.maximumf %max3A_422, %max3A_634 : vector<16xf32>
          %max3A_641 = arith.maximumf %min3A_423, %max3A_630 : vector<16xf32>
          %max3A_642 = arith.maximumf %max3A_424, %max3A_626 : vector<16xf32>
          %max3A_643 = arith.maximumf %min3A_425, %max3A_618 : vector<16xf32>
          %max3A_644 = arith.maximumf %max3A_636, %max3A_640 : vector<16xf32>
          %min3A_645 = arith.minimumf %max3A_636, %max3A_640 : vector<16xf32>
          %max3A_646 = arith.maximumf %max3A_637, %max3A_641 : vector<16xf32>
          %min3A_647 = arith.minimumf %max3A_637, %max3A_641 : vector<16xf32>
          %max3A_648 = arith.maximumf %max3A_638, %max3A_642 : vector<16xf32>
          %min3A_649 = arith.minimumf %max3A_638, %max3A_642 : vector<16xf32>
          %max3A_650 = arith.maximumf %max3A_639, %max3A_643 : vector<16xf32>
          %min3A_651 = arith.minimumf %max3A_639, %max3A_643 : vector<16xf32>
          %max3A_652 = arith.maximumf %max3A_644, %max3A_648 : vector<16xf32>
          %min3A_653 = arith.minimumf %max3A_644, %max3A_648 : vector<16xf32>
          %max3A_654 = arith.maximumf %max3A_646, %max3A_650 : vector<16xf32>
          %min3A_655 = arith.minimumf %max3A_646, %max3A_650 : vector<16xf32>
          %max3A_656 = arith.maximumf %min3A_645, %min3A_649 : vector<16xf32>
          %min3A_657 = arith.minimumf %min3A_645, %min3A_649 : vector<16xf32>
          %max3A_658 = arith.maximumf %min3A_647, %min3A_651 : vector<16xf32>
          %min3A_659 = arith.minimumf %min3A_647, %min3A_651 : vector<16xf32>
          %max3A_660 = arith.maximumf %max3A_652, %max3A_654 : vector<16xf32>
          %min3A_661 = arith.minimumf %max3A_652, %max3A_654 : vector<16xf32>
          %max3A_662 = arith.maximumf %min3A_653, %min3A_655 : vector<16xf32>
          %min3A_663 = arith.minimumf %min3A_653, %min3A_655 : vector<16xf32>
          %max3A_664 = arith.maximumf %max3A_656, %max3A_658 : vector<16xf32>
          %min3A_665 = arith.minimumf %max3A_656, %max3A_658 : vector<16xf32>
          %max3A_666 = arith.maximumf %min3A_657, %min3A_659 : vector<16xf32>
          %min3A_667 = arith.minimumf %min3A_657, %min3A_659 : vector<16xf32>
          %add3A_668 = arith.constant 128 : i32
          %add3A_669 = arith.addi %mul3A_549, %add3A_668 : i32
          %add3A_670 = arith.constant 0 : i32
          %add3A_671 = arith.addi %add3A_669, %add3A_670 : i32
          %get3A_672 = arith.index_cast %and3A_88 : i32 to index
          %get3A_673 = arith.index_cast %scan3A_122 : i32 to index
          %get3A_674 = arith.index_cast %add3A_671 : i32 to index
          %get3A_675 = tpu.vector_load %arg4[%get3A_672, %get3A_673, %get3A_674] {strides = array<i32>} : memref<2x4x8192xf32, #tpu.memory_space<vmem>>, vector<16xf32>,
          %add3A_676 = arith.constant 16 : i32
          %add3A_677 = arith.addi %add3A_669, %add3A_676 : i32
          %get3A_678 = arith.index_cast %and3A_88 : i32 to index
          %get3A_679 = arith.index_cast %scan3A_122 : i32 to index
          %get3A_680 = arith.index_cast %add3A_677 : i32 to index
          %get3A_681 = tpu.vector_load %arg4[%get3A_678, %get3A_679, %get3A_680] {strides = array<i32>} : memref<2x4x8192xf32, #tpu.memory_space<vmem>>, vector<16xf32>,
          %add3A_682 = arith.constant 32 : i32
          %add3A_683 = arith.addi %add3A_669, %add3A_682 : i32
          %get3A_684 = arith.index_cast %and3A_88 : i32 to index
          %get3A_685 = arith.index_cast %scan3A_122 : i32 to index
          %get3A_686 = arith.index_cast %add3A_683 : i32 to index
          %get3A_687 = tpu.vector_load %arg4[%get3A_684, %get3A_685, %get3A_686] {strides = array<i32>} : memref<2x4x8192xf32, #tpu.memory_space<vmem>>, vector<16xf32>,
          %add3A_688 = arith.constant 48 : i32
          %add3A_689 = arith.addi %add3A_669, %add3A_688 : i32
          %get3A_690 = arith.index_cast %and3A_88 : i32 to index
          %get3A_691 = arith.index_cast %scan3A_122 : i32 to index
          %get3A_692 = arith.index_cast %add3A_689 : i32 to index
          %get3A_693 = tpu.vector_load %arg4[%get3A_690, %get3A_691, %get3A_692] {strides = array<i32>} : memref<2x4x8192xf32, #tpu.memory_space<vmem>>, vector<16xf32>,
          %add3A_694 = arith.constant 64 : i32
          %add3A_695 = arith.addi %add3A_669, %add3A_694 : i32
          %get3A_696 = arith.index_cast %and3A_88 : i32 to index
          %get3A_697 = arith.index_cast %scan3A_122 : i32 to index
          %get3A_698 = arith.index_cast %add3A_695 : i32 to index
          %get3A_699 = tpu.vector_load %arg4[%get3A_696, %get3A_697, %get3A_698] {strides = array<i32>} : memref<2x4x8192xf32, #tpu.memory_space<vmem>>, vector<16xf32>,
          %add3A_700 = arith.constant 80 : i32
          %add3A_701 = arith.addi %add3A_669, %add3A_700 : i32
          %get3A_702 = arith.index_cast %and3A_88 : i32 to index
          %get3A_703 = arith.index_cast %scan3A_122 : i32 to index
          %get3A_704 = arith.index_cast %add3A_701 : i32 to index
          %get3A_705 = tpu.vector_load %arg4[%get3A_702, %get3A_703, %get3A_704] {strides = array<i32>} : memref<2x4x8192xf32, #tpu.memory_space<vmem>>, vector<16xf32>,
          %add3A_706 = arith.constant 96 : i32
          %add3A_707 = arith.addi %add3A_669, %add3A_706 : i32
          %get3A_708 = arith.index_cast %and3A_88 : i32 to index
          %get3A_709 = arith.index_cast %scan3A_122 : i32 to index
          %get3A_710 = arith.index_cast %add3A_707 : i32 to index
          %get3A_711 = tpu.vector_load %arg4[%get3A_708, %get3A_709, %get3A_710] {strides = array<i32>} : memref<2x4x8192xf32, #tpu.memory_space<vmem>>, vector<16xf32>,
          %add3A_712 = arith.constant 112 : i32
          %add3A_713 = arith.addi %add3A_669, %add3A_712 : i32
          %get3A_714 = arith.index_cast %and3A_88 : i32 to index
          %get3A_715 = arith.index_cast %scan3A_122 : i32 to index
          %get3A_716 = arith.index_cast %add3A_713 : i32 to index
          %get3A_717 = tpu.vector_load %arg4[%get3A_714, %get3A_715, %get3A_716] {strides = array<i32>} : memref<2x4x8192xf32, #tpu.memory_space<vmem>>, vector<16xf32>,
          %max3A_718 = arith.maximumf %get3A_675, %get3A_681 : vector<16xf32>
          %min3A_719 = arith.minimumf %get3A_675, %get3A_681 : vector<16xf32>
          %max3A_720 = arith.maximumf %get3A_687, %get3A_693 : vector<16xf32>
          %min3A_721 = arith.minimumf %get3A_687, %get3A_693 : vector<16xf32>
          %max3A_722 = arith.maximumf %get3A_699, %get3A_705 : vector<16xf32>
          %min3A_723 = arith.minimumf %get3A_699, %get3A_705 : vector<16xf32>
          %max3A_724 = arith.maximumf %get3A_711, %get3A_717 : vector<16xf32>
          %min3A_725 = arith.minimumf %get3A_711, %get3A_717 : vector<16xf32>
          %max3A_726 = arith.maximumf %max3A_718, %max3A_720 : vector<16xf32>
          %min3A_727 = arith.minimumf %max3A_718, %max3A_720 : vector<16xf32>
          %max3A_728 = arith.maximumf %min3A_719, %min3A_721 : vector<16xf32>
          %min3A_729 = arith.minimumf %min3A_719, %min3A_721 : vector<16xf32>
          %max3A_730 = arith.maximumf %max3A_722, %max3A_724 : vector<16xf32>
          %min3A_731 = arith.minimumf %max3A_722, %max3A_724 : vector<16xf32>
          %max3A_732 = arith.maximumf %min3A_723, %min3A_725 : vector<16xf32>
          %min3A_733 = arith.minimumf %min3A_723, %min3A_725 : vector<16xf32>
          %max3A_734 = arith.maximumf %max3A_728, %min3A_727 : vector<16xf32>
          %min3A_735 = arith.minimumf %max3A_728, %min3A_727 : vector<16xf32>
          %max3A_736 = arith.maximumf %max3A_732, %min3A_731 : vector<16xf32>
          %min3A_737 = arith.minimumf %max3A_732, %min3A_731 : vector<16xf32>
          %max3A_738 = arith.maximumf %max3A_726, %max3A_730 : vector<16xf32>
          %min3A_739 = arith.minimumf %max3A_726, %max3A_730 : vector<16xf32>
          %max3A_740 = arith.maximumf %min3A_729, %min3A_733 : vector<16xf32>
          %min3A_741 = arith.minimumf %min3A_729, %min3A_733 : vector<16xf32>
          %max3A_742 = arith.maximumf %max3A_734, %max3A_736 : vector<16xf32>
          %min3A_743 = arith.minimumf %max3A_734, %max3A_736 : vector<16xf32>
          %max3A_744 = arith.maximumf %min3A_735, %min3A_737 : vector<16xf32>
          %min3A_745 = arith.minimumf %min3A_735, %min3A_737 : vector<16xf32>
          %max3A_746 = arith.maximumf %max3A_742, %min3A_739 : vector<16xf32>
          %min3A_747 = arith.minimumf %max3A_742, %min3A_739 : vector<16xf32>
          %max3A_748 = arith.maximumf %max3A_740, %min3A_745 : vector<16xf32>
          %min3A_749 = arith.minimumf %max3A_740, %min3A_745 : vector<16xf32>
          %max3A_750 = arith.maximumf %max3A_744, %min3A_747 : vector<16xf32>
          %min3A_751 = arith.minimumf %max3A_744, %min3A_747 : vector<16xf32>
          %max3A_752 = arith.maximumf %max3A_748, %min3A_743 : vector<16xf32>
          %min3A_753 = arith.minimumf %max3A_748, %min3A_743 : vector<16xf32>
          %max3A_754 = arith.maximumf %max3A_752, %min3A_751 : vector<16xf32>
          %min3A_755 = arith.minimumf %max3A_752, %min3A_751 : vector<16xf32>
          %max3A_756 = arith.maximumf %max3A_538, %min3A_741 : vector<16xf32>
          %max3A_757 = arith.maximumf %min3A_539, %min3A_749 : vector<16xf32>
          %max3A_758 = arith.maximumf %max3A_540, %min3A_753 : vector<16xf32>
          %max3A_759 = arith.maximumf %min3A_541, %min3A_755 : vector<16xf32>
          %max3A_760 = arith.maximumf %max3A_542, %max3A_754 : vector<16xf32>
          %max3A_761 = arith.maximumf %min3A_543, %max3A_750 : vector<16xf32>
          %max3A_762 = arith.maximumf %max3A_544, %max3A_746 : vector<16xf32>
          %max3A_763 = arith.maximumf %min3A_545, %max3A_738 : vector<16xf32>
          %max3A_764 = arith.maximumf %max3A_756, %max3A_760 : vector<16xf32>
          %min3A_765 = arith.minimumf %max3A_756, %max3A_760 : vector<16xf32>
          %max3A_766 = arith.maximumf %max3A_757, %max3A_761 : vector<16xf32>
          %min3A_767 = arith.minimumf %max3A_757, %max3A_761 : vector<16xf32>
          %max3A_768 = arith.maximumf %max3A_758, %max3A_762 : vector<16xf32>
          %min3A_769 = arith.minimumf %max3A_758, %max3A_762 : vector<16xf32>
          %max3A_770 = arith.maximumf %max3A_759, %max3A_763 : vector<16xf32>
          %min3A_771 = arith.minimumf %max3A_759, %max3A_763 : vector<16xf32>
          %max3A_772 = arith.maximumf %max3A_764, %max3A_768 : vector<16xf32>
          %min3A_773 = arith.minimumf %max3A_764, %max3A_768 : vector<16xf32>
          %max3A_774 = arith.maximumf %max3A_766, %max3A_770 : vector<16xf32>
          %min3A_775 = arith.minimumf %max3A_766, %max3A_770 : vector<16xf32>
          %max3A_776 = arith.maximumf %min3A_765, %min3A_769 : vector<16xf32>
          %min3A_777 = arith.minimumf %min3A_765, %min3A_769 : vector<16xf32>
          %max3A_778 = arith.maximumf %min3A_767, %min3A_771 : vector<16xf32>
          %min3A_779 = arith.minimumf %min3A_767, %min3A_771 : vector<16xf32>
          %max3A_780 = arith.maximumf %max3A_772, %max3A_774 : vector<16xf32>
          %min3A_781 = arith.minimumf %max3A_772, %max3A_774 : vector<16xf32>
          %max3A_782 = arith.maximumf %min3A_773, %min3A_775 : vector<16xf32>
          %min3A_783 = arith.minimumf %min3A_773, %min3A_775 : vector<16xf32>
          %max3A_784 = arith.maximumf %max3A_776, %max3A_778 : vector<16xf32>
          %min3A_785 = arith.minimumf %max3A_776, %max3A_778 : vector<16xf32>
          %max3A_786 = arith.maximumf %min3A_777, %min3A_779 : vector<16xf32>
          %min3A_787 = arith.minimumf %min3A_777, %min3A_779 : vector<16xf32>
          scf.yield %max3A_660, %min3A_661, %max3A_662, %min3A_663, %max3A_664, %min3A_665, %max3A_666, %min3A_667, %max3A_780, %min3A_781, %max3A_782, %min3A_783, %max3A_784, %min3A_785, %max3A_786, %min3A_787 : vector<16xf32>, vector<16xf32>, vector<16xf32>, vector<16xf32>, vector<16xf32>, vector<16xf32>, vector<16xf32>, vector<16xf32>, vector<16xf32>, vector<16xf32>, vector<16xf32>, vector<16xf32>, vector<16xf32>, vector<16xf32>, vector<16xf32>, vector<16xf32>
        }
        %scan3A_129 = arith.constant 32 : i32
        %max3A = arith.maximumf %scan3A_128#0, %scan3A_128#15 : vector<16xf32>
        %max3A_130 = arith.maximumf %scan3A_128#1, %scan3A_128#14 : vector<16xf32>
        %max3A_131 = arith.maximumf %scan3A_128#2, %scan3A_128#13 : vector<16xf32>
        %max3A_132 = arith.maximumf %scan3A_128#3, %scan3A_128#12 : vector<16xf32>
        %max3A_133 = arith.maximumf %scan3A_128#4, %scan3A_128#11 : vector<16xf32>
        %max3A_134 = arith.maximumf %scan3A_128#5, %scan3A_128#10 : vector<16xf32>
        %max3A_135 = arith.maximumf %scan3A_128#6, %scan3A_128#9 : vector<16xf32>
        %max3A_136 = arith.maximumf %scan3A_128#7, %scan3A_128#8 : vector<16xf32>
        %max3A_137 = arith.maximumf %max3A, %max3A_133 : vector<16xf32>
        %min3A = arith.minimumf %max3A, %max3A_133 : vector<16xf32>
        %max3A_138 = arith.maximumf %max3A_130, %max3A_134 : vector<16xf32>
        %min3A_139 = arith.minimumf %max3A_130, %max3A_134 : vector<16xf32>
        %max3A_140 = arith.maximumf %max3A_131, %max3A_135 : vector<16xf32>
        %min3A_141 = arith.minimumf %max3A_131, %max3A_135 : vector<16xf32>
        %max3A_142 = arith.maximumf %max3A_132, %max3A_136 : vector<16xf32>
        %min3A_143 = arith.minimumf %max3A_132, %max3A_136 : vector<16xf32>
        %max3A_144 = arith.maximumf %max3A_137, %max3A_140 : vector<16xf32>
        %min3A_145 = arith.minimumf %max3A_137, %max3A_140 : vector<16xf32>
        %max3A_146 = arith.maximumf %max3A_138, %max3A_142 : vector<16xf32>
        %min3A_147 = arith.minimumf %max3A_138, %max3A_142 : vector<16xf32>
        %max3A_148 = arith.maximumf %min3A, %min3A_141 : vector<16xf32>
        %min3A_149 = arith.minimumf %min3A, %min3A_141 : vector<16xf32>
        %max3A_150 = arith.maximumf %min3A_139, %min3A_143 : vector<16xf32>
        %min3A_151 = arith.minimumf %min3A_139, %min3A_143 : vector<16xf32>
        %max3A_152 = arith.maximumf %max3A_144, %max3A_146 : vector<16xf32>
        %min3A_153 = arith.minimumf %max3A_144, %max3A_146 : vector<16xf32>
        %max3A_154 = arith.maximumf %min3A_145, %min3A_147 : vector<16xf32>
        %min3A_155 = arith.minimumf %min3A_145, %min3A_147 : vector<16xf32>
        %max3A_156 = arith.maximumf %max3A_148, %max3A_150 : vector<16xf32>
        %min3A_157 = arith.minimumf %max3A_148, %max3A_150 : vector<16xf32>
        %max3A_158 = arith.maximumf %min3A_149, %min3A_151 : vector<16xf32>
        %min3A_159 = arith.minimumf %min3A_149, %min3A_151 : vector<16xf32>
        %masked_sort3A = arith.constant dense<true> : vector<16xi1>
        %masked_sort3A_160, %masked_sort3A_161, %masked_sort3A_162 = tpu.sort %max3A_152, %max3A_152 masked %masked_sort3A {descending = true} : (vector<16xf32>, vector<16xf32>, vector<16xi1>) -> (vector<16xi1>, vector<16xf32>, vector<16xf32>)
        %masked_sort3A_163 = arith.constant dense<true> : vector<16xi1>
        %masked_sort3A_164, %masked_sort3A_165, %masked_sort3A_166 = tpu.sort %min3A_153, %min3A_153 masked %masked_sort3A_163 {descending = true} : (vector<16xf32>, vector<16xf32>, vector<16xi1>) -> (vector<16xi1>, vector<16xf32>, vector<16xf32>)
        %lt3A_167 = arith.constant 8 : i32
        %lt3A_168 = vector.broadcast %lt3A_167 : i32 to vector<16xi32>
        %lt3A_169 = arith.cmpi slt, %iota3A, %lt3A_168 : vector<16xi32>
        %rev3A = arith.constant 15 : i32
        %rev3A_170 = vector.broadcast %rev3A : i32 to vector<16xi32>
        %rev3A_171 = tpu.iota {dimensions = array<i32: 0>} : vector<16xi32>
        %rev3A_172 = arith.subi %rev3A_170, %rev3A_171 : vector<16xi32>
        %rev3A_173 = tpu.dynamic_gather %masked_sort3A_165[%rev3A_172] in [0] : vector<16xf32>, vector<16xi32> -> vector<16xf32>
        %select_n3A_174 = arith.select %lt3A_169, %masked_sort3A_161, %rev3A_173 : vector<16xi1>, vector<16xf32>
        %masked_sort3A_175 = arith.constant dense<true> : vector<16xi1>
        %masked_sort3A_176, %masked_sort3A_177, %masked_sort3A_178 = tpu.sort %select_n3A_174, %select_n3A_174 masked %masked_sort3A_175 {descending = true} : (vector<16xf32>, vector<16xf32>, vector<16xi1>) -> (vector<16xi1>, vector<16xf32>, vector<16xf32>)
        %masked_sort3A_179 = arith.constant dense<true> : vector<16xi1>
        %masked_sort3A_180, %masked_sort3A_181, %masked_sort3A_182 = tpu.sort %max3A_154, %max3A_154 masked %masked_sort3A_179 {descending = true} : (vector<16xf32>, vector<16xf32>, vector<16xi1>) -> (vector<16xi1>, vector<16xf32>, vector<16xf32>)
        %masked_sort3A_183 = arith.constant dense<true> : vector<16xi1>
        %masked_sort3A_184, %masked_sort3A_185, %masked_sort3A_186 = tpu.sort %min3A_155, %min3A_155 masked %masked_sort3A_183 {descending = true} : (vector<16xf32>, vector<16xf32>, vector<16xi1>) -> (vector<16xi1>, vector<16xf32>, vector<16xf32>)
        %lt3A_187 = arith.constant 8 : i32
        %lt3A_188 = vector.broadcast %lt3A_187 : i32 to vector<16xi32>
        %lt3A_189 = arith.cmpi slt, %iota3A, %lt3A_188 : vector<16xi32>
        %rev3A_190 = arith.constant 15 : i32
        %rev3A_191 = vector.broadcast %rev3A_190 : i32 to vector<16xi32>
        %rev3A_192 = tpu.iota {dimensions = array<i32: 0>} : vector<16xi32>
        %rev3A_193 = arith.subi %rev3A_191, %rev3A_192 : vector<16xi32>
        %rev3A_194 = tpu.dynamic_gather %masked_sort3A_185[%rev3A_193] in [0] : vector<16xf32>, vector<16xi32> -> vector<16xf32>
        %select_n3A_195 = arith.select %lt3A_189, %masked_sort3A_181, %rev3A_194 : vector<16xi1>, vector<16xf32>
        %masked_sort3A_196 = arith.constant dense<true> : vector<16xi1>
        %masked_sort3A_197, %masked_sort3A_198, %masked_sort3A_199 = tpu.sort %select_n3A_195, %select_n3A_195 masked %masked_sort3A_196 {descending = true} : (vector<16xf32>, vector<16xf32>, vector<16xi1>) -> (vector<16xi1>, vector<16xf32>, vector<16xf32>)
        %masked_sort3A_200 = arith.constant dense<true> : vector<16xi1>
        %masked_sort3A_201, %masked_sort3A_202, %masked_sort3A_203 = tpu.sort %max3A_156, %max3A_156 masked %masked_sort3A_200 {descending = true} : (vector<16xf32>, vector<16xf32>, vector<16xi1>) -> (vector<16xi1>, vector<16xf32>, vector<16xf32>)
        %masked_sort3A_204 = arith.constant dense<true> : vector<16xi1>
        %masked_sort3A_205, %masked_sort3A_206, %masked_sort3A_207 = tpu.sort %min3A_157, %min3A_157 masked %masked_sort3A_204 {descending = true} : (vector<16xf32>, vector<16xf32>, vector<16xi1>) -> (vector<16xi1>, vector<16xf32>, vector<16xf32>)
        %lt3A_208 = arith.constant 8 : i32
        %lt3A_209 = vector.broadcast %lt3A_208 : i32 to vector<16xi32>
        %lt3A_210 = arith.cmpi slt, %iota3A, %lt3A_209 : vector<16xi32>
        %rev3A_211 = arith.constant 15 : i32
        %rev3A_212 = vector.broadcast %rev3A_211 : i32 to vector<16xi32>
        %rev3A_213 = tpu.iota {dimensions = array<i32: 0>} : vector<16xi32>
        %rev3A_214 = arith.subi %rev3A_212, %rev3A_213 : vector<16xi32>
        %rev3A_215 = tpu.dynamic_gather %masked_sort3A_206[%rev3A_214] in [0] : vector<16xf32>, vector<16xi32> -> vector<16xf32>
        %select_n3A_216 = arith.select %lt3A_210, %masked_sort3A_202, %rev3A_215 : vector<16xi1>, vector<16xf32>
        %masked_sort3A_217 = arith.constant dense<true> : vector<16xi1>
        %masked_sort3A_218, %masked_sort3A_219, %masked_sort3A_220 = tpu.sort %select_n3A_216, %select_n3A_216 masked %masked_sort3A_217 {descending = true} : (vector<16xf32>, vector<16xf32>, vector<16xi1>) -> (vector<16xi1>, vector<16xf32>, vector<16xf32>)
        %masked_sort3A_221 = arith.constant dense<true> : vector<16xi1>
        %masked_sort3A_222, %masked_sort3A_223, %masked_sort3A_224 = tpu.sort %max3A_158, %max3A_158 masked %masked_sort3A_221 {descending = true} : (vector<16xf32>, vector<16xf32>, vector<16xi1>) -> (vector<16xi1>, vector<16xf32>, vector<16xf32>)
        %masked_sort3A_225 = arith.constant dense<true> : vector<16xi1>
        %masked_sort3A_226, %masked_sort3A_227, %masked_sort3A_228 = tpu.sort %min3A_159, %min3A_159 masked %masked_sort3A_225 {descending = true} : (vector<16xf32>, vector<16xf32>, vector<16xi1>) -> (vector<16xi1>, vector<16xf32>, vector<16xf32>)
        %lt3A_229 = arith.constant 8 : i32
        %lt3A_230 = vector.broadcast %lt3A_229 : i32 to vector<16xi32>
        %lt3A_231 = arith.cmpi slt, %iota3A, %lt3A_230 : vector<16xi32>
        %rev3A_232 = arith.constant 15 : i32
        %rev3A_233 = vector.broadcast %rev3A_232 : i32 to vector<16xi32>
        %rev3A_234 = tpu.iota {dimensions = array<i32: 0>} : vector<16xi32>
        %rev3A_235 = arith.subi %rev3A_233, %rev3A_234 : vector<16xi32>
        %rev3A_236 = tpu.dynamic_gather %masked_sort3A_227[%rev3A_235] in [0] : vector<16xf32>, vector<16xi32> -> vector<16xf32>
        %select_n3A_237 = arith.select %lt3A_231, %masked_sort3A_223, %rev3A_236 : vector<16xi1>, vector<16xf32>
        %masked_sort3A_238 = arith.constant dense<true> : vector<16xi1>
        %masked_sort3A_239, %masked_sort3A_240, %masked_sort3A_241 = tpu.sort %select_n3A_237, %select_n3A_237 masked %masked_sort3A_238 {descending = true} : (vector<16xf32>, vector<16xf32>, vector<16xi1>) -> (vector<16xi1>, vector<16xf32>, vector<16xf32>)
        %lt3A_242 = arith.constant 8 : i32
        %lt3A_243 = vector.broadcast %lt3A_242 : i32 to vector<16xi32>
        %lt3A_244 = arith.cmpi slt, %iota3A, %lt3A_243 : vector<16xi32>
        %rev3A_245 = arith.constant 15 : i32
        %rev3A_246 = vector.broadcast %rev3A_245 : i32 to vector<16xi32>
        %rev3A_247 = tpu.iota {dimensions = array<i32: 0>} : vector<16xi32>
        %rev3A_248 = arith.subi %rev3A_246, %rev3A_247 : vector<16xi32>
        %rev3A_249 = tpu.dynamic_gather %masked_sort3A_198[%rev3A_248] in [0] : vector<16xf32>, vector<16xi32> -> vector<16xf32>
        %select_n3A_250 = arith.select %lt3A_244, %masked_sort3A_177, %rev3A_249 : vector<16xi1>, vector<16xf32>
        %masked_sort3A_251 = arith.constant dense<true> : vector<16xi1>
        %masked_sort3A_252, %masked_sort3A_253, %masked_sort3A_254 = tpu.sort %select_n3A_250, %select_n3A_250 masked %masked_sort3A_251 {descending = true} : (vector<16xf32>, vector<16xf32>, vector<16xi1>) -> (vector<16xi1>, vector<16xf32>, vector<16xf32>)
        %lt3A_255 = arith.constant 8 : i32
        %lt3A_256 = vector.broadcast %lt3A_255 : i32 to vector<16xi32>
        %lt3A_257 = arith.cmpi slt, %iota3A, %lt3A_256 : vector<16xi32>
        %rev3A_258 = arith.constant 15 : i32
        %rev3A_259 = vector.broadcast %rev3A_258 : i32 to vector<16xi32>
        %rev3A_260 = tpu.iota {dimensions = array<i32: 0>} : vector<16xi32>
        %rev3A_261 = arith.subi %rev3A_259, %rev3A_260 : vector<16xi32>
        %rev3A_262 = tpu.dynamic_gather %masked_sort3A_240[%rev3A_261] in [0] : vector<16xf32>, vector<16xi32> -> vector<16xf32>
        %select_n3A_263 = arith.select %lt3A_257, %masked_sort3A_219, %rev3A_262 : vector<16xi1>, vector<16xf32>
        %masked_sort3A_264 = arith.constant dense<true> : vector<16xi1>
        %masked_sort3A_265, %masked_sort3A_266, %masked_sort3A_267 = tpu.sort %select_n3A_263, %select_n3A_263 masked %masked_sort3A_264 {descending = true} : (vector<16xf32>, vector<16xf32>, vector<16xi1>) -> (vector<16xi1>, vector<16xf32>, vector<16xf32>)
        %lt3A_268 = arith.constant 8 : i32
        %lt3A_269 = vector.broadcast %lt3A_268 : i32 to vector<16xi32>
        %lt3A_270 = arith.cmpi slt, %iota3A, %lt3A_269 : vector<16xi32>
        %rev3A_271 = arith.constant 15 : i32
        %rev3A_272 = vector.broadcast %rev3A_271 : i32 to vector<16xi32>
        %rev3A_273 = tpu.iota {dimensions = array<i32: 0>} : vector<16xi32>
        %rev3A_274 = arith.subi %rev3A_272, %rev3A_273 : vector<16xi32>
        %rev3A_275 = tpu.dynamic_gather %masked_sort3A_266[%rev3A_274] in [0] : vector<16xf32>, vector<16xi32> -> vector<16xf32>
        %select_n3A_276 = arith.select %lt3A_270, %masked_sort3A_253, %rev3A_275 : vector<16xi1>, vector<16xf32>
        %masked_sort3A_277 = arith.constant dense<true> : vector<16xi1>
        %masked_sort3A_278, %masked_sort3A_279, %masked_sort3A_280 = tpu.sort %select_n3A_276, %select_n3A_276 masked %masked_sort3A_277 {descending = true} : (vector<16xf32>, vector<16xf32>, vector<16xi1>) -> (vector<16xi1>, vector<16xf32>, vector<16xf32>)
        %mul3A_281 = arith.constant 4 : i32
        %mul3A_282 = arith.muli %scan3A_86, %mul3A_281 : i32
        %add3A_283 = arith.addi %mul3A_282, %scan3A_122 : i32
        %mul3A_284 = arith.constant 256 : i32
        %mul3A_285 = vector.broadcast %mul3A_284 : i32 to vector<16xi32>
        %mul3A_286 = arith.muli %iota3A, %mul3A_285 : vector<16xi32>
        %add3A_287 = vector.broadcast %add3A_283 : i32 to vector<16xi32>
        %add3A_288 = arith.addi %mul3A_286, %add3A_287 : vector<16xi32>
        tpu.vector_store_idx %arg5[%add3A_288], %masked_sort3A_279 masked %lt3A_39 : memref<2048xf32, #tpu.memory_space<vmem>>[vector<16xi32>], vector<16xf32>, vector<16xi1>
        %scan3A_289 = arith.constant 0 : i32
        scf.yield %scan3A_289 : i32
      }
      %scan3A_103 = arith.constant 4 : i32
      %add3A_104 = arith.constant 2 : i32
      %add3A_105 = arith.addi %scan3A_86, %add3A_104 : i32
      %lt3A_106 = arith.constant 64 : i32
      %lt3A_107 = arith.cmpi slt, %add3A_105, %lt3A_106 : i32
      %eq3A_108 = arith.constant 0 : i32
      %eq3A_109 = arith.cmpi eq, %and3A_88, %eq3A_108 : i32
      %and3A_110 = arith.andi %lt3A_107, %eq3A_109 : i1
      %convert_element_type3A_111 = arith.extui %and3A_110 : i1 to i32
      %cond3A_112 = arith.constant 0 : i32
      %cond3A_113 = arith.cmpi ne, %convert_element_type3A_111, %cond3A_112 : i32
      scf.if %cond3A_113 {
        %mul3A_122 = arith.constant 4 : i32
        %mul3A_123 = arith.muli %add3A_105, %mul3A_122 : i32
        %add3A_124 = arith.addi %mul3A_36, %mul3A_123 : i32
        %dma_start3A_125 = arith.constant 0 : i32
        %dma_start3A_126 = arith.constant 0 : i32
        %dma_start3A_127 = arith.constant 0 : i32
        %dma_start3A_128 = tpu.memref_slice %arg4[%dma_start3A_125, %dma_start3A_126, %dma_start3A_127] : memref<2x4x8192xf32, #tpu.memory_space<vmem>> -> memref<1x4x8192xf32, #tpu.memory_space<vmem>>
        %dma_start3A_129 = tpu.memref_squeeze %dma_start3A_128 : memref<1x4x8192xf32, #tpu.memory_space<vmem>> -> memref<4x8192xf32, #tpu.memory_space<vmem>>
        %dma_start3A_130 = arith.constant 0 : i32
        %dma_start3A_131 = tpu.memref_slice %arg2[%select_n3A, %add3A_124, %dma_start3A_130] : memref<4x2048x8192xf32, #tpu.memory_space<hbm>> -> memref<1x4x8192xf32, #tpu.memory_space<hbm>>
        %dma_start3A_132 = tpu.memref_squeeze %dma_start3A_131 : memref<1x4x8192xf32, #tpu.memory_space<hbm>> -> memref<4x8192xf32, #tpu.memory_space<hbm>>
        %dma_start3A_133 = arith.constant 0 : i32
        %dma_start3A_134 = arith.constant 0 : i32
        %dma_start3A_135 = tpu.memref_slice %arg4[%dma_start3A_125, %dma_start3A_133, %dma_start3A_134] : memref<2x4x8192xf32, #tpu.memory_space<vmem>> -> memref<1x4x8192xf32, #tpu.memory_space<vmem>>
        %dma_start3A_136 = tpu.memref_squeeze %dma_start3A_135 : memref<1x4x8192xf32, #tpu.memory_space<vmem>> -> memref<4x8192xf32, #tpu.memory_space<vmem>>
        %dma_start3A_137 = arith.constant 0 : i32
        %dma_start3A_138 = tpu.memref_slice %arg2[%select_n3A, %add3A_124, %dma_start3A_137] : memref<4x2048x8192xf32, #tpu.memory_space<hbm>> -> memref<1x4x8192xf32, #tpu.memory_space<hbm>>
        %dma_start3A_139 = tpu.memref_squeeze %dma_start3A_138 : memref<1x4x8192xf32, #tpu.memory_space<hbm>> -> memref<4x8192xf32, #tpu.memory_space<hbm>>
        tpu.enqueue_dma source(%dma_start3A_139 : memref<4x8192xf32, #tpu.memory_space<hbm>>) target(%dma_start3A_136 : memref<4x8192xf32, #tpu.memory_space<vmem>>) target_semaphore(%arg6 : memref<!tpu.dma_semaphore, #tpu.memory_space<semaphore_mem>>)
      } else {
      }
      %lt3A_114 = arith.constant 64 : i32
      %lt3A_115 = arith.cmpi slt, %add3A_105, %lt3A_114 : i32
      %eq3A_116 = arith.constant 1 : i32
      %eq3A_117 = arith.cmpi eq, %and3A_88, %eq3A_116 : i32
      %and3A_118 = arith.andi %lt3A_115, %eq3A_117 : i1
      %convert_element_type3A_119 = arith.extui %and3A_118 : i1 to i32
      %cond3A_120 = arith.constant 0 : i32
      %cond3A_121 = arith.cmpi ne, %convert_element_type3A_119, %cond3A_120 : i32
      scf.if %cond3A_121 {
        %mul3A_122 = arith.constant 4 : i32
        %mul3A_123 = arith.muli %add3A_105, %mul3A_122 : i32
        %add3A_124 = arith.addi %mul3A_36, %mul3A_123 : i32
        %dma_start3A_125 = arith.constant 1 : i32
        %dma_start3A_126 = arith.constant 0 : i32
        %dma_start3A_127 = arith.constant 0 : i32
        %dma_start3A_128 = tpu.memref_slice %arg4[%dma_start3A_125, %dma_start3A_126, %dma_start3A_127] : memref<2x4x8192xf32, #tpu.memory_space<vmem>> -> memref<1x4x8192xf32, #tpu.memory_space<vmem>>
        %dma_start3A_129 = tpu.memref_squeeze %dma_start3A_128 : memref<1x4x8192xf32, #tpu.memory_space<vmem>> -> memref<4x8192xf32, #tpu.memory_space<vmem>>
        %dma_start3A_130 = arith.constant 0 : i32
        %dma_start3A_131 = tpu.memref_slice %arg2[%select_n3A, %add3A_124, %dma_start3A_130] : memref<4x2048x8192xf32, #tpu.memory_space<hbm>> -> memref<1x4x8192xf32, #tpu.memory_space<hbm>>
        %dma_start3A_132 = tpu.memref_squeeze %dma_start3A_131 : memref<1x4x8192xf32, #tpu.memory_space<hbm>> -> memref<4x8192xf32, #tpu.memory_space<hbm>>
        %dma_start3A_133 = arith.constant 0 : i32
        %dma_start3A_134 = arith.constant 0 : i32
        %dma_start3A_135 = tpu.memref_slice %arg4[%dma_start3A_125, %dma_start3A_133, %dma_start3A_134] : memref<2x4x8192xf32, #tpu.memory_space<vmem>> -> memref<1x4x8192xf32, #tpu.memory_space<vmem>>
        %dma_start3A_136 = tpu.memref_squeeze %dma_start3A_135 : memref<1x4x8192xf32, #tpu.memory_space<vmem>> -> memref<4x8192xf32, #tpu.memory_space<vmem>>
        %dma_start3A_137 = arith.constant 0 : i32
        %dma_start3A_138 = tpu.memref_slice %arg2[%select_n3A, %add3A_124, %dma_start3A_137] : memref<4x2048x8192xf32, #tpu.memory_space<hbm>> -> memref<1x4x8192xf32, #tpu.memory_space<hbm>>
        %dma_start3A_139 = tpu.memref_squeeze %dma_start3A_138 : memref<1x4x8192xf32, #tpu.memory_space<hbm>> -> memref<4x8192xf32, #tpu.memory_space<hbm>>
        tpu.enqueue_dma source(%dma_start3A_139 : memref<4x8192xf32, #tpu.memory_space<hbm>>) target(%dma_start3A_136 : memref<4x8192xf32, #tpu.memory_space<vmem>>) target_semaphore(%arg7 : memref<!tpu.dma_semaphore, #tpu.memory_space<semaphore_mem>>)
      } else {
      }
    }
    %scan3A_78 = arith.constant 64 : i32
    %run_scoped3A = arith.constant 0 : i32
    "tpu.region"() ({
      %run_scoped3A_86 = tpu.sem_alloc : memref<!tpu.dma_semaphore, #tpu.memory_space<semaphore_mem>>
      %dma_start3A_87 = arith.constant 0 : i32
      %dma_start3A_88 = tpu.memref_slice %arg5[%dma_start3A_87] : memref<2048xf32, #tpu.memory_space<vmem>> -> memref<256xf32, #tpu.memory_space<vmem>>
      %dma_start3A_89 = tpu.memref_slice %arg3[%select_n3A, %run_scoped3A, %mul3A_36] : memref<4x8x2048xf32, #tpu.memory_space<hbm>> -> memref<1x1x256xf32, #tpu.memory_space<hbm>>
      %dma_start3A_90 = tpu.memref_squeeze %dma_start3A_89 : memref<1x1x256xf32, #tpu.memory_space<hbm>> -> memref<256xf32, #tpu.memory_space<hbm>>
      %dma_start3A_91 = tpu.memref_slice %arg3[%select_n3A, %run_scoped3A, %mul3A_36] : memref<4x8x2048xf32, #tpu.memory_space<hbm>> -> memref<1x1x256xf32, #tpu.memory_space<hbm>>
      %dma_start3A_92 = tpu.memref_squeeze %dma_start3A_91 : memref<1x1x256xf32, #tpu.memory_space<hbm>> -> memref<256xf32, #tpu.memory_space<hbm>>
      %dma_start3A_93 = arith.constant 0 : i32
      %dma_start3A_94 = tpu.memref_slice %arg5[%dma_start3A_93] : memref<2048xf32, #tpu.memory_space<vmem>> -> memref<256xf32, #tpu.memory_space<vmem>>
      tpu.enqueue_dma source(%dma_start3A_94 : memref<256xf32, #tpu.memory_space<vmem>>) target(%dma_start3A_92 : memref<256xf32, #tpu.memory_space<hbm>>) target_semaphore(%run_scoped3A_86 : memref<!tpu.dma_semaphore, #tpu.memory_space<semaphore_mem>>)
      %dma_wait3A = arith.constant 0 : i32
      %dma_wait3A_95 = tpu.memref_slice %arg5[%dma_wait3A] : memref<2048xf32, #tpu.memory_space<vmem>> -> memref<256xf32, #tpu.memory_space<vmem>>
      %dma_wait3A_96 = tpu.memref_slice %arg3[%select_n3A, %run_scoped3A, %mul3A_36] : memref<4x8x2048xf32, #tpu.memory_space<hbm>> -> memref<1x1x256xf32, #tpu.memory_space<hbm>>
      %dma_wait3A_97 = tpu.memref_squeeze %dma_wait3A_96 : memref<1x1x256xf32, #tpu.memory_space<hbm>> -> memref<256xf32, #tpu.memory_space<hbm>>
      %dma_wait3A_98 = tpu.memref_slice %arg3[%select_n3A, %run_scoped3A, %mul3A_36] : memref<4x8x2048xf32, #tpu.memory_space<hbm>> -> memref<1x1x256xf32, #tpu.memory_space<hbm>>
      %dma_wait3A_99 = tpu.memref_squeeze %dma_wait3A_98 : memref<1x1x256xf32, #tpu.memory_space<hbm>> -> memref<256xf32, #tpu.memory_space<hbm>>
      %dma_wait3A_100 = arith.constant 0 : i32
      %dma_wait3A_101 = tpu.memref_slice %arg5[%dma_wait3A_100] : memref<2048xf32, #tpu.memory_space<vmem>> -> memref<256xf32, #tpu.memory_space<vmem>>
      tpu.wait_dma2 semaphore(%run_scoped3A_86 : memref<!tpu.dma_semaphore, #tpu.memory_space<semaphore_mem>>) src(%dma_wait3A_101 : memref<256xf32, #tpu.memory_space<vmem>>) dst(%dma_wait3A_99 : memref<256xf32, #tpu.memory_space<hbm>>)
      tpu.yield
    }) : () -> ()
    %run_scoped3A_79 = arith.constant 1 : i32
    "tpu.region"() ({
      %run_scoped3A_86 = tpu.sem_alloc : memref<!tpu.dma_semaphore, #tpu.memory_space<semaphore_mem>>
      %dma_start3A_87 = arith.constant 256 : i32
      %dma_start3A_88 = tpu.memref_slice %arg5[%dma_start3A_87] : memref<2048xf32, #tpu.memory_space<vmem>> -> memref<256xf32, #tpu.memory_space<vmem>>
      %dma_start3A_89 = tpu.memref_slice %arg3[%select_n3A, %run_scoped3A_79, %mul3A_36] : memref<4x8x2048xf32, #tpu.memory_space<hbm>> -> memref<1x1x256xf32, #tpu.memory_space<hbm>>
      %dma_start3A_90 = tpu.memref_squeeze %dma_start3A_89 : memref<1x1x256xf32, #tpu.memory_space<hbm>> -> memref<256xf32, #tpu.memory_space<hbm>>
      %dma_start3A_91 = tpu.memref_slice %arg3[%select_n3A, %run_scoped3A_79, %mul3A_36] : memref<4x8x2048xf32, #tpu.memory_space<hbm>> -> memref<1x1x256xf32, #tpu.memory_space<hbm>>
      %dma_start3A_92 = tpu.memref_squeeze %dma_start3A_91 : memref<1x1x256xf32, #tpu.memory_space<hbm>> -> memref<256xf32, #tpu.memory_space<hbm>>
      %dma_start3A_93 = arith.constant 256 : i32
      %dma_start3A_94 = tpu.memref_slice %arg5[%dma_start3A_93] : memref<2048xf32, #tpu.memory_space<vmem>> -> memref<256xf32, #tpu.memory_space<vmem>>
      tpu.enqueue_dma source(%dma_start3A_94 : memref<256xf32, #tpu.memory_space<vmem>>) target(%dma_start3A_92 : memref<256xf32, #tpu.memory_space<hbm>>) target_semaphore(%run_scoped3A_86 : memref<!tpu.dma_semaphore, #tpu.memory_space<semaphore_mem>>)
      %dma_wait3A = arith.constant 256 : i32
      %dma_wait3A_95 = tpu.memref_slice %arg5[%dma_wait3A] : memref<2048xf32, #tpu.memory_space<vmem>> -> memref<256xf32, #tpu.memory_space<vmem>>
      %dma_wait3A_96 = tpu.memref_slice %arg3[%select_n3A, %run_scoped3A_79, %mul3A_36] : memref<4x8x2048xf32, #tpu.memory_space<hbm>> -> memref<1x1x256xf32, #tpu.memory_space<hbm>>
      %dma_wait3A_97 = tpu.memref_squeeze %dma_wait3A_96 : memref<1x1x256xf32, #tpu.memory_space<hbm>> -> memref<256xf32, #tpu.memory_space<hbm>>
      %dma_wait3A_98 = tpu.memref_slice %arg3[%select_n3A, %run_scoped3A_79, %mul3A_36] : memref<4x8x2048xf32, #tpu.memory_space<hbm>> -> memref<1x1x256xf32, #tpu.memory_space<hbm>>
      %dma_wait3A_99 = tpu.memref_squeeze %dma_wait3A_98 : memref<1x1x256xf32, #tpu.memory_space<hbm>> -> memref<256xf32, #tpu.memory_space<hbm>>
      %dma_wait3A_100 = arith.constant 256 : i32
      %dma_wait3A_101 = tpu.memref_slice %arg5[%dma_wait3A_100] : memref<2048xf32, #tpu.memory_space<vmem>> -> memref<256xf32, #tpu.memory_space<vmem>>
      tpu.wait_dma2 semaphore(%run_scoped3A_86 : memref<!tpu.dma_semaphore, #tpu.memory_space<semaphore_mem>>) src(%dma_wait3A_101 : memref<256xf32, #tpu.memory_space<vmem>>) dst(%dma_wait3A_99 : memref<256xf32, #tpu.memory_space<hbm>>)
      tpu.yield
    }) : () -> ()
    %run_scoped3A_80 = arith.constant 2 : i32
    "tpu.region"() ({
      %run_scoped3A_86 = tpu.sem_alloc : memref<!tpu.dma_semaphore, #tpu.memory_space<semaphore_mem>>
      %dma_start3A_87 = arith.constant 512 : i32
      %dma_start3A_88 = tpu.memref_slice %arg5[%dma_start3A_87] : memref<2048xf32, #tpu.memory_space<vmem>> -> memref<256xf32, #tpu.memory_space<vmem>>
      %dma_start3A_89 = tpu.memref_slice %arg3[%select_n3A, %run_scoped3A_80, %mul3A_36] : memref<4x8x2048xf32, #tpu.memory_space<hbm>> -> memref<1x1x256xf32, #tpu.memory_space<hbm>>
      %dma_start3A_90 = tpu.memref_squeeze %dma_start3A_89 : memref<1x1x256xf32, #tpu.memory_space<hbm>> -> memref<256xf32, #tpu.memory_space<hbm>>
      %dma_start3A_91 = tpu.memref_slice %arg3[%select_n3A, %run_scoped3A_80, %mul3A_36] : memref<4x8x2048xf32, #tpu.memory_space<hbm>> -> memref<1x1x256xf32, #tpu.memory_space<hbm>>
      %dma_start3A_92 = tpu.memref_squeeze %dma_start3A_91 : memref<1x1x256xf32, #tpu.memory_space<hbm>> -> memref<256xf32, #tpu.memory_space<hbm>>
      %dma_start3A_93 = arith.constant 512 : i32
      %dma_start3A_94 = tpu.memref_slice %arg5[%dma_start3A_93] : memref<2048xf32, #tpu.memory_space<vmem>> -> memref<256xf32, #tpu.memory_space<vmem>>
      tpu.enqueue_dma source(%dma_start3A_94 : memref<256xf32, #tpu.memory_space<vmem>>) target(%dma_start3A_92 : memref<256xf32, #tpu.memory_space<hbm>>) target_semaphore(%run_scoped3A_86 : memref<!tpu.dma_semaphore, #tpu.memory_space<semaphore_mem>>)
      %dma_wait3A = arith.constant 512 : i32
      %dma_wait3A_95 = tpu.memref_slice %arg5[%dma_wait3A] : memref<2048xf32, #tpu.memory_space<vmem>> -> memref<256xf32, #tpu.memory_space<vmem>>
      %dma_wait3A_96 = tpu.memref_slice %arg3[%select_n3A, %run_scoped3A_80, %mul3A_36] : memref<4x8x2048xf32, #tpu.memory_space<hbm>> -> memref<1x1x256xf32, #tpu.memory_space<hbm>>
      %dma_wait3A_97 = tpu.memref_squeeze %dma_wait3A_96 : memref<1x1x256xf32, #tpu.memory_space<hbm>> -> memref<256xf32, #tpu.memory_space<hbm>>
      %dma_wait3A_98 = tpu.memref_slice %arg3[%select_n3A, %run_scoped3A_80, %mul3A_36] : memref<4x8x2048xf32, #tpu.memory_space<hbm>> -> memref<1x1x256xf32, #tpu.memory_space<hbm>>
      %dma_wait3A_99 = tpu.memref_squeeze %dma_wait3A_98 : memref<1x1x256xf32, #tpu.memory_space<hbm>> -> memref<256xf32, #tpu.memory_space<hbm>>
      %dma_wait3A_100 = arith.constant 512 : i32
      %dma_wait3A_101 = tpu.memref_slice %arg5[%dma_wait3A_100] : memref<2048xf32, #tpu.memory_space<vmem>> -> memref<256xf32, #tpu.memory_space<vmem>>
      tpu.wait_dma2 semaphore(%run_scoped3A_86 : memref<!tpu.dma_semaphore, #tpu.memory_space<semaphore_mem>>) src(%dma_wait3A_101 : memref<256xf32, #tpu.memory_space<vmem>>) dst(%dma_wait3A_99 : memref<256xf32, #tpu.memory_space<hbm>>)
      tpu.yield
    }) : () -> ()
    %run_scoped3A_81 = arith.constant 3 : i32
    "tpu.region"() ({
      %run_scoped3A_86 = tpu.sem_alloc : memref<!tpu.dma_semaphore, #tpu.memory_space<semaphore_mem>>
      %dma_start3A_87 = arith.constant 768 : i32
      %dma_start3A_88 = tpu.memref_slice %arg5[%dma_start3A_87] : memref<2048xf32, #tpu.memory_space<vmem>> -> memref<256xf32, #tpu.memory_space<vmem>>
      %dma_start3A_89 = tpu.memref_slice %arg3[%select_n3A, %run_scoped3A_81, %mul3A_36] : memref<4x8x2048xf32, #tpu.memory_space<hbm>> -> memref<1x1x256xf32, #tpu.memory_space<hbm>>
      %dma_start3A_90 = tpu.memref_squeeze %dma_start3A_89 : memref<1x1x256xf32, #tpu.memory_space<hbm>> -> memref<256xf32, #tpu.memory_space<hbm>>
      %dma_start3A_91 = tpu.memref_slice %arg3[%select_n3A, %run_scoped3A_81, %mul3A_36] : memref<4x8x2048xf32, #tpu.memory_space<hbm>> -> memref<1x1x256xf32, #tpu.memory_space<hbm>>
      %dma_start3A_92 = tpu.memref_squeeze %dma_start3A_91 : memref<1x1x256xf32, #tpu.memory_space<hbm>> -> memref<256xf32, #tpu.memory_space<hbm>>
      %dma_start3A_93 = arith.constant 768 : i32
      %dma_start3A_94 = tpu.memref_slice %arg5[%dma_start3A_93] : memref<2048xf32, #tpu.memory_space<vmem>> -> memref<256xf32, #tpu.memory_space<vmem>>
      tpu.enqueue_dma source(%dma_start3A_94 : memref<256xf32, #tpu.memory_space<vmem>>) target(%dma_start3A_92 : memref<256xf32, #tpu.memory_space<hbm>>) target_semaphore(%run_scoped3A_86 : memref<!tpu.dma_semaphore, #tpu.memory_space<semaphore_mem>>)
      %dma_wait3A = arith.constant 768 : i32
      %dma_wait3A_95 = tpu.memref_slice %arg5[%dma_wait3A] : memref<2048xf32, #tpu.memory_space<vmem>> -> memref<256xf32, #tpu.memory_space<vmem>>
      %dma_wait3A_96 = tpu.memref_slice %arg3[%select_n3A, %run_scoped3A_81, %mul3A_36] : memref<4x8x2048xf32, #tpu.memory_space<hbm>> -> memref<1x1x256xf32, #tpu.memory_space<hbm>>
      %dma_wait3A_97 = tpu.memref_squeeze %dma_wait3A_96 : memref<1x1x256xf32, #tpu.memory_space<hbm>> -> memref<256xf32, #tpu.memory_space<hbm>>
      %dma_wait3A_98 = tpu.memref_slice %arg3[%select_n3A, %run_scoped3A_81, %mul3A_36] : memref<4x8x2048xf32, #tpu.memory_space<hbm>> -> memref<1x1x256xf32, #tpu.memory_space<hbm>>
      %dma_wait3A_99 = tpu.memref_squeeze %dma_wait3A_98 : memref<1x1x256xf32, #tpu.memory_space<hbm>> -> memref<256xf32, #tpu.memory_space<hbm>>
      %dma_wait3A_100 = arith.constant 768 : i32
      %dma_wait3A_101 = tpu.memref_slice %arg5[%dma_wait3A_100] : memref<2048xf32, #tpu.memory_space<vmem>> -> memref<256xf32, #tpu.memory_space<vmem>>
      tpu.wait_dma2 semaphore(%run_scoped3A_86 : memref<!tpu.dma_semaphore, #tpu.memory_space<semaphore_mem>>) src(%dma_wait3A_101 : memref<256xf32, #tpu.memory_space<vmem>>) dst(%dma_wait3A_99 : memref<256xf32, #tpu.memory_space<hbm>>)
      tpu.yield
    }) : () -> ()
    %run_scoped3A_82 = arith.constant 4 : i32
    "tpu.region"() ({
      %run_scoped3A_86 = tpu.sem_alloc : memref<!tpu.dma_semaphore, #tpu.memory_space<semaphore_mem>>
      %dma_start3A_87 = arith.constant 1024 : i32
      %dma_start3A_88 = tpu.memref_slice %arg5[%dma_start3A_87] : memref<2048xf32, #tpu.memory_space<vmem>> -> memref<256xf32, #tpu.memory_space<vmem>>
      %dma_start3A_89 = tpu.memref_slice %arg3[%select_n3A, %run_scoped3A_82, %mul3A_36] : memref<4x8x2048xf32, #tpu.memory_space<hbm>> -> memref<1x1x256xf32, #tpu.memory_space<hbm>>
      %dma_start3A_90 = tpu.memref_squeeze %dma_start3A_89 : memref<1x1x256xf32, #tpu.memory_space<hbm>> -> memref<256xf32, #tpu.memory_space<hbm>>
      %dma_start3A_91 = tpu.memref_slice %arg3[%select_n3A, %run_scoped3A_82, %mul3A_36] : memref<4x8x2048xf32, #tpu.memory_space<hbm>> -> memref<1x1x256xf32, #tpu.memory_space<hbm>>
      %dma_start3A_92 = tpu.memref_squeeze %dma_start3A_91 : memref<1x1x256xf32, #tpu.memory_space<hbm>> -> memref<256xf32, #tpu.memory_space<hbm>>
      %dma_start3A_93 = arith.constant 1024 : i32
      %dma_start3A_94 = tpu.memref_slice %arg5[%dma_start3A_93] : memref<2048xf32, #tpu.memory_space<vmem>> -> memref<256xf32, #tpu.memory_space<vmem>>
      tpu.enqueue_dma source(%dma_start3A_94 : memref<256xf32, #tpu.memory_space<vmem>>) target(%dma_start3A_92 : memref<256xf32, #tpu.memory_space<hbm>>) target_semaphore(%run_scoped3A_86 : memref<!tpu.dma_semaphore, #tpu.memory_space<semaphore_mem>>)
      %dma_wait3A = arith.constant 1024 : i32
      %dma_wait3A_95 = tpu.memref_slice %arg5[%dma_wait3A] : memref<2048xf32, #tpu.memory_space<vmem>> -> memref<256xf32, #tpu.memory_space<vmem>>
      %dma_wait3A_96 = tpu.memref_slice %arg3[%select_n3A, %run_scoped3A_82, %mul3A_36] : memref<4x8x2048xf32, #tpu.memory_space<hbm>> -> memref<1x1x256xf32, #tpu.memory_space<hbm>>
      %dma_wait3A_97 = tpu.memref_squeeze %dma_wait3A_96 : memref<1x1x256xf32, #tpu.memory_space<hbm>> -> memref<256xf32, #tpu.memory_space<hbm>>
      %dma_wait3A_98 = tpu.memref_slice %arg3[%select_n3A, %run_scoped3A_82, %mul3A_36] : memref<4x8x2048xf32, #tpu.memory_space<hbm>> -> memref<1x1x256xf32, #tpu.memory_space<hbm>>
      %dma_wait3A_99 = tpu.memref_squeeze %dma_wait3A_98 : memref<1x1x256xf32, #tpu.memory_space<hbm>> -> memref<256xf32, #tpu.memory_space<hbm>>
      %dma_wait3A_100 = arith.constant 1024 : i32
      %dma_wait3A_101 = tpu.memref_slice %arg5[%dma_wait3A_100] : memref<2048xf32, #tpu.memory_space<vmem>> -> memref<256xf32, #tpu.memory_space<vmem>>
      tpu.wait_dma2 semaphore(%run_scoped3A_86 : memref<!tpu.dma_semaphore, #tpu.memory_space<semaphore_mem>>) src(%dma_wait3A_101 : memref<256xf32, #tpu.memory_space<vmem>>) dst(%dma_wait3A_99 : memref<256xf32, #tpu.memory_space<hbm>>)
      tpu.yield
    }) : () -> ()
    %run_scoped3A_83 = arith.constant 5 : i32
    "tpu.region"() ({
      %run_scoped3A_86 = tpu.sem_alloc : memref<!tpu.dma_semaphore, #tpu.memory_space<semaphore_mem>>
      %dma_start3A_87 = arith.constant 1280 : i32
      %dma_start3A_88 = tpu.memref_slice %arg5[%dma_start3A_87] : memref<2048xf32, #tpu.memory_space<vmem>> -> memref<256xf32, #tpu.memory_space<vmem>>
      %dma_start3A_89 = tpu.memref_slice %arg3[%select_n3A, %run_scoped3A_83, %mul3A_36] : memref<4x8x2048xf32, #tpu.memory_space<hbm>> -> memref<1x1x256xf32, #tpu.memory_space<hbm>>
      %dma_start3A_90 = tpu.memref_squeeze %dma_start3A_89 : memref<1x1x256xf32, #tpu.memory_space<hbm>> -> memref<256xf32, #tpu.memory_space<hbm>>
      %dma_start3A_91 = tpu.memref_slice %arg3[%select_n3A, %run_scoped3A_83, %mul3A_36] : memref<4x8x2048xf32, #tpu.memory_space<hbm>> -> memref<1x1x256xf32, #tpu.memory_space<hbm>>
      %dma_start3A_92 = tpu.memref_squeeze %dma_start3A_91 : memref<1x1x256xf32, #tpu.memory_space<hbm>> -> memref<256xf32, #tpu.memory_space<hbm>>
      %dma_start3A_93 = arith.constant 1280 : i32
      %dma_start3A_94 = tpu.memref_slice %arg5[%dma_start3A_93] : memref<2048xf32, #tpu.memory_space<vmem>> -> memref<256xf32, #tpu.memory_space<vmem>>
      tpu.enqueue_dma source(%dma_start3A_94 : memref<256xf32, #tpu.memory_space<vmem>>) target(%dma_start3A_92 : memref<256xf32, #tpu.memory_space<hbm>>) target_semaphore(%run_scoped3A_86 : memref<!tpu.dma_semaphore, #tpu.memory_space<semaphore_mem>>)
      %dma_wait3A = arith.constant 1280 : i32
      %dma_wait3A_95 = tpu.memref_slice %arg5[%dma_wait3A] : memref<2048xf32, #tpu.memory_space<vmem>> -> memref<256xf32, #tpu.memory_space<vmem>>
      %dma_wait3A_96 = tpu.memref_slice %arg3[%select_n3A, %run_scoped3A_83, %mul3A_36] : memref<4x8x2048xf32, #tpu.memory_space<hbm>> -> memref<1x1x256xf32, #tpu.memory_space<hbm>>
      %dma_wait3A_97 = tpu.memref_squeeze %dma_wait3A_96 : memref<1x1x256xf32, #tpu.memory_space<hbm>> -> memref<256xf32, #tpu.memory_space<hbm>>
      %dma_wait3A_98 = tpu.memref_slice %arg3[%select_n3A, %run_scoped3A_83, %mul3A_36] : memref<4x8x2048xf32, #tpu.memory_space<hbm>> -> memref<1x1x256xf32, #tpu.memory_space<hbm>>
      %dma_wait3A_99 = tpu.memref_squeeze %dma_wait3A_98 : memref<1x1x256xf32, #tpu.memory_space<hbm>> -> memref<256xf32, #tpu.memory_space<hbm>>
      %dma_wait3A_100 = arith.constant 1280 : i32
      %dma_wait3A_101 = tpu.memref_slice %arg5[%dma_wait3A_100] : memref<2048xf32, #tpu.memory_space<vmem>> -> memref<256xf32, #tpu.memory_space<vmem>>
      tpu.wait_dma2 semaphore(%run_scoped3A_86 : memref<!tpu.dma_semaphore, #tpu.memory_space<semaphore_mem>>) src(%dma_wait3A_101 : memref<256xf32, #tpu.memory_space<vmem>>) dst(%dma_wait3A_99 : memref<256xf32, #tpu.memory_space<hbm>>)
      tpu.yield
    }) : () -> ()
    %run_scoped3A_84 = arith.constant 6 : i32
    "tpu.region"() ({
      %run_scoped3A_86 = tpu.sem_alloc : memref<!tpu.dma_semaphore, #tpu.memory_space<semaphore_mem>>
      %dma_start3A_87 = arith.constant 1536 : i32
      %dma_start3A_88 = tpu.memref_slice %arg5[%dma_start3A_87] : memref<2048xf32, #tpu.memory_space<vmem>> -> memref<256xf32, #tpu.memory_space<vmem>>
      %dma_start3A_89 = tpu.memref_slice %arg3[%select_n3A, %run_scoped3A_84, %mul3A_36] : memref<4x8x2048xf32, #tpu.memory_space<hbm>> -> memref<1x1x256xf32, #tpu.memory_space<hbm>>
      %dma_start3A_90 = tpu.memref_squeeze %dma_start3A_89 : memref<1x1x256xf32, #tpu.memory_space<hbm>> -> memref<256xf32, #tpu.memory_space<hbm>>
      %dma_start3A_91 = tpu.memref_slice %arg3[%select_n3A, %run_scoped3A_84, %mul3A_36] : memref<4x8x2048xf32, #tpu.memory_space<hbm>> -> memref<1x1x256xf32, #tpu.memory_space<hbm>>
      %dma_start3A_92 = tpu.memref_squeeze %dma_start3A_91 : memref<1x1x256xf32, #tpu.memory_space<hbm>> -> memref<256xf32, #tpu.memory_space<hbm>>
      %dma_start3A_93 = arith.constant 1536 : i32
      %dma_start3A_94 = tpu.memref_slice %arg5[%dma_start3A_93] : memref<2048xf32, #tpu.memory_space<vmem>> -> memref<256xf32, #tpu.memory_space<vmem>>
      tpu.enqueue_dma source(%dma_start3A_94 : memref<256xf32, #tpu.memory_space<vmem>>) target(%dma_start3A_92 : memref<256xf32, #tpu.memory_space<hbm>>) target_semaphore(%run_scoped3A_86 : memref<!tpu.dma_semaphore, #tpu.memory_space<semaphore_mem>>)
      %dma_wait3A = arith.constant 1536 : i32
      %dma_wait3A_95 = tpu.memref_slice %arg5[%dma_wait3A] : memref<2048xf32, #tpu.memory_space<vmem>> -> memref<256xf32, #tpu.memory_space<vmem>>
      %dma_wait3A_96 = tpu.memref_slice %arg3[%select_n3A, %run_scoped3A_84, %mul3A_36] : memref<4x8x2048xf32, #tpu.memory_space<hbm>> -> memref<1x1x256xf32, #tpu.memory_space<hbm>>
      %dma_wait3A_97 = tpu.memref_squeeze %dma_wait3A_96 : memref<1x1x256xf32, #tpu.memory_space<hbm>> -> memref<256xf32, #tpu.memory_space<hbm>>
      %dma_wait3A_98 = tpu.memref_slice %arg3[%select_n3A, %run_scoped3A_84, %mul3A_36] : memref<4x8x2048xf32, #tpu.memory_space<hbm>> -> memref<1x1x256xf32, #tpu.memory_space<hbm>>
      %dma_wait3A_99 = tpu.memref_squeeze %dma_wait3A_98 : memref<1x1x256xf32, #tpu.memory_space<hbm>> -> memref<256xf32, #tpu.memory_space<hbm>>
      %dma_wait3A_100 = arith.constant 1536 : i32
      %dma_wait3A_101 = tpu.memref_slice %arg5[%dma_wait3A_100] : memref<2048xf32, #tpu.memory_space<vmem>> -> memref<256xf32, #tpu.memory_space<vmem>>
      tpu.wait_dma2 semaphore(%run_scoped3A_86 : memref<!tpu.dma_semaphore, #tpu.memory_space<semaphore_mem>>) src(%dma_wait3A_101 : memref<256xf32, #tpu.memory_space<vmem>>) dst(%dma_wait3A_99 : memref<256xf32, #tpu.memory_space<hbm>>)
      tpu.yield
    }) : () -> ()
    %run_scoped3A_85 = arith.constant 7 : i32
    "tpu.region"() ({
      %run_scoped3A_86 = tpu.sem_alloc : memref<!tpu.dma_semaphore, #tpu.memory_space<semaphore_mem>>
      %dma_start3A_87 = arith.constant 1792 : i32
      %dma_start3A_88 = tpu.memref_slice %arg5[%dma_start3A_87] : memref<2048xf32, #tpu.memory_space<vmem>> -> memref<256xf32, #tpu.memory_space<vmem>>
      %dma_start3A_89 = tpu.memref_slice %arg3[%select_n3A, %run_scoped3A_85, %mul3A_36] : memref<4x8x2048xf32, #tpu.memory_space<hbm>> -> memref<1x1x256xf32, #tpu.memory_space<hbm>>
      %dma_start3A_90 = tpu.memref_squeeze %dma_start3A_89 : memref<1x1x256xf32, #tpu.memory_space<hbm>> -> memref<256xf32, #tpu.memory_space<hbm>>
      %dma_start3A_91 = tpu.memref_slice %arg3[%select_n3A, %run_scoped3A_85, %mul3A_36] : memref<4x8x2048xf32, #tpu.memory_space<hbm>> -> memref<1x1x256xf32, #tpu.memory_space<hbm>>
      %dma_start3A_92 = tpu.memref_squeeze %dma_start3A_91 : memref<1x1x256xf32, #tpu.memory_space<hbm>> -> memref<256xf32, #tpu.memory_space<hbm>>
      %dma_start3A_93 = arith.constant 1792 : i32
      %dma_start3A_94 = tpu.memref_slice %arg5[%dma_start3A_93] : memref<2048xf32, #tpu.memory_space<vmem>> -> memref<256xf32, #tpu.memory_space<vmem>>
      tpu.enqueue_dma source(%dma_start3A_94 : memref<256xf32, #tpu.memory_space<vmem>>) target(%dma_start3A_92 : memref<256xf32, #tpu.memory_space<hbm>>) target_semaphore(%run_scoped3A_86 : memref<!tpu.dma_semaphore, #tpu.memory_space<semaphore_mem>>)
      %dma_wait3A = arith.constant 1792 : i32
      %dma_wait3A_95 = tpu.memref_slice %arg5[%dma_wait3A] : memref<2048xf32, #tpu.memory_space<vmem>> -> memref<256xf32, #tpu.memory_space<vmem>>
      %dma_wait3A_96 = tpu.memref_slice %arg3[%select_n3A, %run_scoped3A_85, %mul3A_36] : memref<4x8x2048xf32, #tpu.memory_space<hbm>> -> memref<1x1x256xf32, #tpu.memory_space<hbm>>
      %dma_wait3A_97 = tpu.memref_squeeze %dma_wait3A_96 : memref<1x1x256xf32, #tpu.memory_space<hbm>> -> memref<256xf32, #tpu.memory_space<hbm>>
      %dma_wait3A_98 = tpu.memref_slice %arg3[%select_n3A, %run_scoped3A_85, %mul3A_36] : memref<4x8x2048xf32, #tpu.memory_space<hbm>> -> memref<1x1x256xf32, #tpu.memory_space<hbm>>
      %dma_wait3A_99 = tpu.memref_squeeze %dma_wait3A_98 : memref<1x1x256xf32, #tpu.memory_space<hbm>> -> memref<256xf32, #tpu.memory_space<hbm>>
      %dma_wait3A_100 = arith.constant 1792 : i32
      %dma_wait3A_101 = tpu.memref_slice %arg5[%dma_wait3A_100] : memref<2048xf32, #tpu.memory_space<vmem>> -> memref<256xf32, #tpu.memory_space<vmem>>
      tpu.wait_dma2 semaphore(%run_scoped3A_86 : memref<!tpu.dma_semaphore, #tpu.memory_space<semaphore_mem>>) src(%dma_wait3A_101 : memref<256xf32, #tpu.memory_space<vmem>>) dst(%dma_wait3A_99 : memref<256xf32, #tpu.memory_space<hbm>>)
      tpu.yield
    }) : () -> ()
    return
  }
}

</mosaic_0001>

<sc_bundles>
// kernel: kernel.3.cloned.1.call-start
scs
__scs_entry_jumppad:
0x0: {  	(pc) =	sbr.rel $0x88, $3  }
0x1: {  	(tag) =	ssettag $0x0;
	lr =	simm.s32 $0x1  }
0x2: {  	[smem:$0x3FA0] =	sst lr;
	_ =	strace $0xD0000000  }
0x3: {  	_ = 	snop  }
0x4: {  	_ = 	snop  }
0x5: {  	_ = 	snop  }
0x6: {  	_ = 	snop  }
0x7: {  	_ = 	snop  }
__scs_overlays_trampoline_lowered:
0x8: {  	[smem:$0x3FAF] =	sst s0  }
0x9: {  	[smem:$0x3FB0] =	sst s1  }
0xa: {  	[smem:$0x3FB1] =	sst s2  }
0xb: {  	[smem:$0x3FB2] =	sst s3  }
0xc: {  	[smem:$0x3FB3] =	sst s4  }
0xd: {  	[smem:$0x3FB4] =	sst s5  }
0xe: {  	[smem:$0x3FB5] =	sst s6  }
0xf: {  	[smem:$0x3FB6] =	sst s7  }
0x10: {  	[smem:$0x3FB7] =	sst s8  }
0x11: {  	[smem:$0x3FB8] =	sst s9;
	s0 =	simm.s32 @!p0 $0x0  }
0x12: {  	s1 =	sld [smem:$0x3F9E];
	s0 =	simm.s32 @p0 $0x1  }
0x13: {  	[smem:$0x3FB9] =	sst s0;
	s0 =	simm.s32 @!p1 $0x0  }
0x14: {  	s2 =	sld [smem:$0x3F9D];
	s0 =	simm.s32 @p1 $0x1  }
0x15: {  	[smem:$0x3FBA] =	sst s0;
	s0 =	simm.s32 @!p2 $0x0  }
0x16: {  	s3 =	sld [smem:$0x3FDB];
	s0 =	simm.s32 @p2 $0x1  }
0x17: {  	s4 =	simm.s32 $0x1BF5;
	[smem:$0x3FBC] =	sst s0  }
0x18: {  	s0 =	sld [smem:$0x3F9F];
	_ =	swait.ge [sflag:s4], $0x0  }
0x19: {  	s7 =	sld [smem:$0x3FA0]  }
0x1a: {  	s8 =	sadd.s32 $0xFFFFE003, lr  }
0x1b: {  	s9 =	sadd.s32 $0xFFFFFEF7, lr;
	s5 =	simm.s32 $0xFFFFFFFF;
	p2 =	slt.u32 s8, $0xFFFFF086  }
0x1c: {  	p1 =	slt.u32 s9, $0xF7A;
	s5 =	simm.s32 @!p2 $0x0  }
0x1d: {  	s5 =	simm.s32 @p1 $0x1;
	p0 =	seq.s32 s7, s2  }
0x1e: {  	s7 =	smul.u32 @!p0 $0xF7A, s2;
	p2 =	seq.s32 @!p0 s5, $0x0  }
0x1f: {  	s9 =	smul.u32 $0xF7A, s1;
	s8 =	simm.s32 @!p0 $0x1BF5;
	p2 =	por !p2, p0  }
0x20: {  	[sflag:s8] =	ssyncset.s32 @!p0 $0xFFFFF086;
	s6 =	sadd.s32 @!p0 s3, s7;
	s7 =	simm.s32 @!p0 $0x108  }
0x21: {  	s3 =	sadd.s32 s3, s9;
	s6 =	sadd.s32 @!p0 $0x88, s6;
	s7 =	simm.s32 @p2 $0x1082  }
0x22: {  	[simem:s7], [sflag:s8] =	dma.local @!p0 [hbm:s6], $0xF7A  }
0x23: {  	s9 =	sor.u32 $0xD0000000, s2;
	s6 =	simm.s32 $0x108;
	_ =	swait.ge @!p0 [sflag:s8], $0x0  }
0x24: {  	s3 =	sadd.s32 $0x88, s3;
	s6 =	simm.s32 @!p1 $0x1082;
	[sflag:s4] =	ssyncset.s32 $0xFFFFF086  }
0x25: {  	[simem:s6], [sflag:s4] =	dma.local [hbm:s3], $0xF7A  }
0x26: {  	[smem:$0x3FA0] =	sst s1;
	(tag) =	ssettag s2;
	_ =	strace s9  }
0x27: {  	s1 =	sld [smem:$0x3FB0]  }
0x28: {  	s2 =	sld [smem:$0x3FB1]  }
0x29: {  	s4 =	sld [smem:$0x3FB3]  }
0x2a: {  	p0 =	seq.s32 s5, $0x0;
	s5 =	sld [smem:$0x3FB4]  }
0x2b: {  	s6 =	sld [smem:$0x3FB5]  }
0x2c: {  	s7 =	sld [smem:$0x3FB6]  }
0x2d: {  	s3 =	simm.s32 $0x108;
	s8 =	sld [smem:$0x3FB7]  }
0x2e: {  	s3 =	simm.s32 @!p0 $0x1082;
	s9 =	sld [smem:$0x3FB8]  }
0x2f: {  	lr =	sadd.s32 s0, s3;
	s0 =	sld [smem:$0x3FAF]  }
0x30: {  	s3 =	sld [smem:$0x3FB2]  }
0x31: {  	[smem:$0x3FBB] =	sst s10  }
0x32: {  	s10 =	sld [smem:$0x3FB9];
	_ =	sdelay $0x3  }
0x33: {  	p0 =	seq.s32 s10, $0x1;
	s10 =	sld [smem:$0x3FBB];
	_ =	sdelay $0x3  }
0x34: {  	[smem:$0x3FBB] =	sst s10  }
0x35: {  	s10 =	sld [smem:$0x3FBA];
	_ =	sdelay $0x3  }
0x36: {  	p1 =	seq.s32 s10, $0x1;
	s10 =	sld [smem:$0x3FBB];
	_ =	sdelay $0x3  }
0x37: {  	[smem:$0x3FBB] =	sst s10  }
0x38: {  	s10 =	sld [smem:$0x3FBC]  }
0x39: {  	_ = 	snop;
	(pc) =	sbr.ind lr, $3  }
0x3a: {  	_ = 	snop  }
0x3b: {  	_ = 	snop  }
0x3c: {  	p2 =	seq.s32 s10, $0x1;
	s10 =	sld [smem:$0x3FBB]  }
0x3d: {  	_ =	shalt  }
0x3e: {  	_ =	shalt  }
0x3f: {  	_ =	shalt  }
0x40: {  	_ =	shalt  }
0x41: {  	_ =	shalt  }
0x42: {  	_ =	shalt  }
0x43: {  	_ =	shalt  }
0x44: {  	_ =	shalt  }
0x45: {  	_ =	shalt  }
0x46: {  	_ =	shalt  }
0x47: {  	_ =	shalt  }
0x48: {  	_ =	shalt  }
0x49: {  	_ =	shalt  }
0x4a: {  	_ =	shalt  }
0x4b: {  	_ =	shalt  }
0x4c: {  	_ =	shalt  }
0x4d: {  	_ =	shalt  }
0x4e: {  	_ =	shalt  }
0x4f: {  	_ =	shalt  }
0x50: {  	_ =	shalt  }
0x51: {  	_ =	shalt  }
0x52: {  	_ =	shalt  }
0x53: {  	_ =	shalt  }
0x54: {  	_ =	shalt  }
0x55: {  	_ =	shalt  }
0x56: {  	_ =	shalt  }
0x57: {  	_ =	shalt  }
0x58: {  	_ =	shalt  }
0x59: {  	_ =	shalt  }
0x5a: {  	_ =	shalt  }
0x5b: {  	_ =	shalt  }
0x5c: {  	_ =	shalt  }
0x5d: {  	_ =	shalt  }
0x5e: {  	_ =	shalt  }
0x5f: {  	_ =	shalt  }
0x60: {  	_ =	shalt  }
0x61: {  	_ =	shalt  }
0x62: {  	_ =	shalt  }
0x63: {  	_ =	shalt  }
0x64: {  	_ =	shalt  }
0x65: {  	_ =	shalt  }
0x66: {  	_ =	shalt  }
0x67: {  	_ =	shalt  }
0x68: {  	_ =	shalt  }
0x69: {  	_ =	shalt  }
0x6a: {  	_ =	shalt  }
0x6b: {  	_ =	shalt  }
0x6c: {  	_ =	shalt  }
0x6d: {  	_ =	shalt  }
0x6e: {  	_ =	shalt  }
0x6f: {  	_ =	shalt  }
0x70: {  	_ =	shalt  }
0x71: {  	_ =	shalt  }
0x72: {  	_ =	shalt  }
0x73: {  	_ =	shalt  }
0x74: {  	_ =	shalt  }
0x75: {  	_ =	shalt  }
0x76: {  	_ =	shalt  }
0x77: {  	_ =	shalt  }
0x78: {  	_ =	shalt  }
0x79: {  	_ =	shalt  }
0x7a: {  	_ =	shalt  }
0x7b: {  	_ =	shalt  }
0x7c: {  	_ =	shalt  }
0x7d: {  	_ =	shalt  }
0x7e: {  	_ =	shalt  }
0x7f: {  	_ =	shalt  }
0x80: {  	_ =	shalt  }
0x81: {  	_ =	shalt  }
0x82: {  	_ =	shalt  }
0x83: {  	_ =	shalt  }
0x84: {  	_ =	shalt  }
0x85: {  	_ =	shalt  }
0x86: {  	_ =	shalt  }
0x87: {  	_ =	shalt  }
.Lfunc_end0:
.L_simem_size_0:
called_computation_lowered:
.L_overlay_start_0:
0x88: {  	s2 =	sld [smem:$0x3FD9]  }
0x89: {  	s3 =	sld [smem:$0x3FFE];
	_ =	sdelay $0x1  }
0x8a: {  	s1 =	srdreg.scid  }
0x8b: {  	s0 =	sand.u32 $0x1, s1  }
0x8c: {  	s18 =	sshll.u32 s0, $0xA;
	s2 =	sadd.s32 s3, s2  }
0x8d: {  	s2 =	sadd.s32 s2, s18  }
0x8e: {  	[smem:$0x3FC7] =	sst s2  }
0x8f: {  	_ = 	snop  }
0x90: {  	s2 =	sld [smem:$0x3FC9]  }
0x91: {  	s19 =	sld [smem:$0x3FD0];
	(tm) =	ssettm $0x1  }
0x92: {  	s4 =	sld [smem:$0x3FFB];
	_ =	sdelay $0x3  }
0x93: {  	_ =	strace s4  }
0x94: {  	s4 =	sld [smem:$0x3FFC];
	_ =	sdelay $0x3  }
0x95: {  	_ =	strace s4  }
0x96: {  	s4 =	sld [smem:$0x3FFD];
	_ =	sdelay $0x3  }
0x97: {  	_ =	strace s4  }
0x98: {  	_ =	strace $0x8FFFFFFF  }
0x99: {  	s20 =	sld [smem:$0x3FDB];
	_ =	sdelay $0x1  }
0x9a: {  	s5 =	simm.s32 $_scs_section_size  }
0x9b: {  	s6 =	simm.s32 $_size__tile_overlayer_lowered;
	s7 =	simm.s32 $_tile_overlayer_lowered  }
0x9c: {  	s23 =	simm.s32 $0x1BFF;
	s22 =	sshll.u32 s7, $0x1;
	s4 =	sadd.s32 s5, s20  }
0x9d: {  	s8 =	simm.s32 $0x0;
	s21 =	sshll.u32 s6, $0x1;
	s6 =	sadd.s32 s22, s4  }
0x9e: {  	[timem:s8], [sflag:s23] =	dma.local [hbm:s6], s21  }
0x9f: {  	_ =	swait.ge [sflag:s23], s21  }
0xa0: {  	s5 =	ssub.s32 $0x0, s21;
	[sflag:s23] =	ssyncset.done $0x0  }
0xa1: {  	[sflag:s23] =	ssyncadd.s32 s5;
	_ =	sdelay $0x1  }
0xa2: {  	s24 =	simm.s32 $0x1B8B  }
0xa3: {  	_ =	swait.ge [sflag:s24], $0x1  }
0xa4: {  	[sflag:s24] =	ssyncset.done $0x0  }
0xa5: {  	s25 =	simm.s32 $0x1B8E;
	[sflag:s24] =	ssyncadd.s32 $0xFFFFFFFF  }
0xa6: {  	s26 =	simm.s32 $execute0_lowered;
	[smem:$0x3FD2] =	sst s25  }
0xa7: {  	s5 =	sshll.u32 s26, $0x1;
	_ =	strace $0x80000046;
	[dreg:$0x1] =	wrdreg $0xFFFFFFFF  }
0xa8: {  	s28 =	simm.s32 $_size_execute0_lowered;
	s4 =	sadd.s32 s4, s5;
	[dreg:$0x0] =	wrdreg $0x0  }
0xa9: {  	s5 =	sshll.u32 s28, $0x1;
	[dreg:$0x2] =	wrdreg s4  }
0xaa: {  	[dreg:$0x3] =	wrdreg s5  }
0xab: {  	[dreg:$0x4] =	wrdreg $0xC0  }
0xac: {  	_ =	task [dreg:s8], $0x5FFFF  }
0xad: {  	[dreg:$0x1] =	wrdreg $0xFFFFFFFF  }
0xae: {  	[dreg:$0x0] =	wrdreg $0x60  }
0xaf: {  	[dreg:$0x2] =	wrdreg s2  }
0xb0: {  	[dreg:$0x3] =	wrdreg s19  }
0xb1: {  	[dreg:$0x4] =	wrdreg $0x9  }
0xb2: {  	_ =	task.clear_ibuf [dreg:s8], $0x5FFFF;
	_ =	strace $0x90000046  }
0xb3: {  	s29 =	simm.s32 $0x9;
	_ =	strace $0x80000048  }
0xb4: {  	_ =	swait.ge [sflag:s29], $0x1  }
0xb5: {  	[sflag:s29] =	ssyncadd.s32 $0xFFFFFFFF  }
0xb6: {  	_ =	strace $0x90000048  }
0xb7: {  	_ =	sfence  }
0xb8: {  	s30 =	sld [smem:$0x0];
	_ =	sdelay $0x2  }
0xb9: {  	s31 =	sshll.u32 s1, $0xD;
	s1 =	sshrl.u32 s1, $0x2  }
0xba: {  	s3 =	sand.u32 $0x4000, s31;
	s1 =	sadd.s32 s1, s30  }
0xbb: {  	s0 =	sor.u32 s3, s0;
	s1 =	sshll.u32 s1, $0x11  }
0xbc: {  	s0 =	sor.u32 s1, s0  }
0xbd: {  	s0 =	sadd.s32 $0x8F2B, s0  }
0xbe: {  	[sflag:s0] =	ssyncadd.remote.s32 $0x1  }
0xbf: {  	_ =	sfence.sel $0xFFFF  }
0xc0: {  	[dreg:$0x0] =	wrdreg $0xFFFFFFFF;
	(pc) =	sbr.abs _section_cstart, $3  }
0xc1: {  	[dreg:$0x1] =	wrdreg $0xFFFFFFFF  }
0xc2: {  	_ =	task.clear_ibuf [dreg:s8], $0x2FFFF;
	_ =	strace $0x9FFFFFFF  }
0xc3: {  	(tm) =	ssettm $0x7FFFFFFF  }
tec
execute0_lowered:
.L_overlay_start_1:
0x0: {  	(tag) =	ssettag $0x1  }
0x1: {  	s2 =	rddreg [dreg:$0x0]  }
0x2: {  	s0 =	rddreg [dreg:$0x1];
	s4 =	stileid.u32  }
0x3: {  	s5 =	simm.s32 $0x0;
	s1 =	srdreg.scid;
	s19 =	simm.s32 $0x200  }
0x4: {  	s20 =	simm.s32 $0x400;
	s22 =	simm.s32 $0x10000;
	s23 =	simm.s32 $0x80  }
0x5: {  	s24 =	simm.s32 $0x3;
	s31 =	simm.s32 $0x10600;
	s3 =	sshll.u32 s4, $0x1  }
0x6: {  	[smem:$0x7FF] =	sst s5;
	s1 =	sand.u32 $0x1, s1;
	s7 =	sshrl.u32 s4, $0x2  }
0x7: {  	s3 =	sand.u32 $0x6, s3;
	_ =	strace $0x80000047;
	s6 =	ssub.s32 $0x2, s1  }
0x8: {  	s5 =	sshll.u32 s7, $0x18;
	s7 =	sshll.u32 s7, $0xB;
	s1 =	sor.u32 s1, s3  }
0x9: {  	s30 =	sshrl.u32 s6, $0x1;
	s4 =	sshll.u32 s1, $0x15;
	s1 =	sshll.u32 s1, $0x8  }
0xa: {  	s3 =	ssub.s32 s6, s30;
	s6 =	sor.u32 s5, s4;
	s1 =	sor.u32 s7, s1  }
0xb: {  	s7 =	sadd.s32 $0x40, s2;
	s18 =	smax.u32 s3, $0x1;
	s10 =	sshrl.u32 s6, $0x3  }
0xc: {  	s8 =	sadd.s32 s0, s1;
	s0 =	simm.s32 $0x10700;
	s1 =	simm.s32 $0x0  }
0xd: {  	s9 =	sadd.s32 s2, s10;
	s10 =	sadd.s32 s10, s7;
	s11 =	sadd.s32 $0x10, s8  }
0xe: {  	s12 =	sadd.s32 $0x20, s8;
	s13 =	sadd.s32 $0x30, s8;
	s14 =	sadd.s32 $0x40, s8  }
0xf: {  	v0 =	vlaneseq.u32;
	vm0 =	vmmov $0xff;
	s15 =	sadd.s32 $0x50, s8;
	s16 =	sadd.s32 $0x60, s8;
	s17 =	sadd.s32 $0x70, s8  }
.LBB2_1:
0x10: {  	s3 =	simm.s32 $0x0  }
0x11: {  	[tilespmem:s3], [sflag:$0x1] =	stream.strided.gather [hbm4b:s9+s19], $0x8000, s20, s19, $0x38;
	[tilespmem:$0x10800] =	vst v63  }
0x12: {  	s30 =	simm.s32 $0x8000;
	p0 =	por $0x0, $0x0;
	s3 =	simm.s32 $0x0  }
0x13: {  	[tilespmem:s30], [sflag:$0x2] =	stream.strided.gather [hbm4b:s10+s19], $0x8000, s20, s19, $0x38;
	[tilespmem:$0x10800] =	vst v63  }
.LBB2_2:
0x14: {  	s21 =	sand.u32 $0x1, s3  }
0x15: {  	p1 =	seq.s32 s21, $0x1  }
0x16: {  	s25 =	simm.s32 @!p1 $0x1  }
0x17: {  	_ =	swait.ge @!p1 [sflag:s25], $0x8000  }
0x18: {  	p2 =	seq.s32 s21, $0x0;
	[sflag:s25] =	ssyncset.done @!p1 $0x0  }
0x19: {  	s26 =	simm.s32 $0x1;
	s28 =	simm.s32 @!p2 $0x2;
	[sflag:s25] =	ssyncadd.s32 @!p1 $0xFFFF8000  }
0x1a: {  	s26 =	simm.s32 @!p0 $0x0;
	_ =	swait.ge @!p2 [sflag:s28], $0x8000  }
0x1b: {  	s30 =	sshll.u32 s26, $0xF;
	s26 =	sshll.u32 s3, $0x2;
	[sflag:s28] =	ssyncset.done @!p2 $0x0  }
0x1c: {  	s25 =	sor.u32 $0x400, s30;
	[sflag:s28] =	ssyncadd.s32 @!p2 $0xFFFF8000;
	s28 =	simm.s32 $0x0  }
.LBB2_3:
0x1d: {  	v1 =	vld [tilespmem:s25+$0x200]  }
0x1e: {  	v2 =	vld [tilespmem:s25+$0x210]  }
0x1f: {  	v3 =	vld [tilespmem:s25+$0x220]  }
0x20: {  	v4 =	vld [tilespmem:s25+$0x230]  }
0x21: {  	v5 =	vld [tilespmem:s25+$0x240]  }
0x22: {  	v6 =	vld [tilespmem:s25+$0x250]  }
0x23: {  	v8 =	vld [tilespmem:s25+$0x260]  }
0x24: {  	v9 =	vld [tilespmem:s25+$0x270]  }
0x25: {  	v10 =	vld [tilespmem:s25+$0xFFFFFE00]  }
0x26: {  	v11 =	vld [tilespmem:s25+$0xFFFFFE10]  }
0x27: {  	v12 =	vld [tilespmem:s25+$0xFFFFFE20]  }
0x28: {  	v13 =	vld [tilespmem:s25+$0xFFFFFE30]  }
0x29: {  	v14 =	vld [tilespmem:s25+$0xFFFFFE40]  }
0x2a: {  	v15 =	vld [tilespmem:s25+$0xFFFFFE50]  }
0x2b: {  	v16 =	vld [tilespmem:s25+$0xFFFFFE60]  }
0x2c: {  	v17 =	vld [tilespmem:s25+$0xFFFFFE70]  }
0x2d: {  	v7 =	vimm.f32 $-Inf;
	v34 =	vld [tilespmem:s25+$0xFFFFFC40];
	v18 =	vmax.f32 v1, v2  }
0x2e: {  	v35 =	vld [tilespmem:s25+$0xFFFFFC50];
	v1 =	vmin.f32 v1, v2;
	v2 =	vmax.f32 v3, v4;
	v3 =	vmin.f32 v3, v4  }
0x2f: {  	v4 =	vmax.f32 v5, v6;
	v5 =	vmin.f32 v5, v6;
	v6 =	vmax.f32 v8, v9  }
0x30: {  	v19 =	vmax.f32 v10, v11;
	v10 =	vmin.f32 v10, v11;
	v8 =	vmin.f32 v8, v9  }
0x31: {  	v9 =	vmax.f32 v12, v13;
	v11 =	vmin.f32 v12, v13;
	v12 =	vmax.f32 v14, v15  }
0x32: {  	v13 =	vmin.f32 v14, v15;
	v14 =	vmax.f32 v16, v17;
	v15 =	vmin.f32 v16, v17  }
0x33: {  	v47 =	vmin.f32 v34, v35;
	v16 =	vmax.f32 v18, v2;
	v17 =	vmin.f32 v1, v3  }
0x34: {  	v20 =	vmax.f32 v4, v6;
	v2 =	vmin.f32 v18, v2;
	v18 =	vmax.f32 v1, v3  }
0x35: {  	v21 =	vmin.f32 v5, v8;
	v22 =	vmax.f32 v19, v9;
	v4 =	vmin.f32 v4, v6  }
0x36: {  	v5 =	vmax.f32 v5, v8;
	v6 =	vmin.f32 v10, v11;
	v23 =	vmax.f32 v12, v14  }
0x37: {  	v24 =	vmin.f32 v13, v15;
	v9 =	vmin.f32 v19, v9;
	v11 =	vmax.f32 v10, v11  }
0x38: {  	v12 =	vmin.f32 v12, v14;
	v13 =	vmax.f32 v13, v15;
	v1 =	vmax.f32 v16, v20  }
0x39: {  	v8 =	vmin.f32 v17, v21;
	v3 =	vmax.f32 v22, v23;
	v14 =	vmin.f32 v16, v20  }
0x3a: {  	v15 =	vmax.f32 v17, v21;
	v10 =	vmin.f32 v6, v24;
	v16 =	vmax.f32 v18, v2  }
0x3b: {  	v2 =	vmin.f32 v18, v2;
	v18 =	vmin.f32 v22, v23;
	v21 =	vmax.f32 v5, v4  }
0x3c: {  	v25 =	vld [tilespmem:s25+$0x10];
	v4 =	vmin.f32 v5, v4;
	v5 =	vmax.f32 v11, v9;
	v9 =	vmin.f32 v11, v9  }
0x3d: {  	v26 =	vld [tilespmem:s25+$0x20];
	v6 =	vmax.f32 v6, v24;
	v11 =	vmax.f32 v13, v12;
	v12 =	vmin.f32 v13, v12  }
0x3e: {  	v27 =	vld [tilespmem:s25+$0x70];
	v24 =	vmin.f32 v16, v21;
	v13 =	vmax.f32 v16, v21;
	v16 =	vmax.f32 v2, v4  }
0x3f: {  	v30 =	vld [tilespmem:s25+$0xFFFFFC10];
	v4 =	vmin.f32 v2, v4;
	v28 =	vmax.f32 v5, v11;
	v5 =	vmin.f32 v5, v11  }
0x40: {  	v31 =	vld [tilespmem:s25+$0xFFFFFC20];
	v29 =	vmax.f32 v9, v12;
	v11 =	vmin.f32 v9, v12;
	v10 =	vmax.f32 v7, v10  }
0x41: {  	v33 =	vld [tilespmem:s25+$0xFFFFFC30];
	v2 =	vmax.f32 v13, v14;
	v9 =	vmin.f32 v15, v4;
	v12 =	vmax.f32 v28, v18  }
0x42: {  	v19 =	vld [tilespmem:s25+$0x0];
	v14 =	vmin.f32 v13, v14;
	v32 =	vmax.f32 v15, v4;
	v18 =	vmin.f32 v28, v18  }
0x43: {  	v17 =	vld [tilespmem:s25+$0x30];
	v28 =	vmax.f32 v6, v11;
	v13 =	vmin.f32 v6, v11;
	v4 =	vmax.f32 v16, v14  }
0x44: {  	v20 =	vld [tilespmem:s25+$0x40];
	v6 =	vmin.f32 v16, v14;
	v11 =	vmin.f32 v32, v24;
	v15 =	vmax.f32 v29, v18  }
0x45: {  	v22 =	vld [tilespmem:s25+$0x50];
	v14 =	vmin.f32 v28, v5;
	v24 =	vmax.f32 v32, v24;
	v16 =	vmin.f32 v29, v18  }
0x46: {  	v23 =	vld [tilespmem:s25+$0x60];
	v28 =	vmax.f32 v28, v5;
	v13 =	vmax.f32 v7, v13;
	v12 =	vmax.f32 v7, v12  }
0x47: {  	v21 =	vld [tilespmem:s25+$0xFFFFFC00];
	v5 =	vmax.f32 v24, v6;
	v18 =	vmax.f32 v28, v16;
	v16 =	vmin.f32 v28, v16  }
0x48: {  	v6 =	vmin.f32 v24, v6;
	v24 =	vmax.f32 v19, v25;
	v19 =	vmin.f32 v19, v25  }
0x49: {  	v15 =	vmax.f32 v7, v15;
	v14 =	vmax.f32 v7, v14;
	v25 =	vmax.f32 v26, v17  }
0x4a: {  	v17 =	vmin.f32 v26, v17;
	v26 =	vmax.f32 v20, v22;
	v20 =	vmin.f32 v20, v22  }
0x4b: {  	v28 =	vmax.f32 v23, v27;
	v23 =	vmin.f32 v23, v27;
	v27 =	vmax.f32 v31, v33  }
0x4c: {  	v22 =	vmax.f32 v21, v30;
	v21 =	vmin.f32 v21, v30;
	v30 =	vmin.f32 v31, v33  }
0x4d: {  	v46 =	vld [tilespmem:s25+$0xFFFFFC60];
	v31 =	vmax.f32 v34, v35;
	v49 =	vmax.f32 v24, v25;
	v50 =	vmin.f32 v19, v17  }
0x4e: {  	v29 =	vld [tilespmem:s25+$0xFFFFFC70];
	v24 =	vmin.f32 v24, v25;
	v25 =	vmax.f32 v26, v28;
	v36 =	vmin.f32 v20, v23  }
0x4f: {  	v17 =	vmax.f32 v19, v17;
	v19 =	vmin.f32 v26, v28;
	v20 =	vmax.f32 v20, v23  }
0x50: {  	v23 =	vmax.f32 v22, v27;
	v26 =	vmin.f32 v21, v30;
	v22 =	vmin.f32 v22, v27  }
0x51: {  	v21 =	vmax.f32 v21, v30;
	v51 =	vmax.f32 v50, v36;
	v52 =	vmin.f32 v50, v36  }
0x52: {  	v55 =	vmax.f32 v17, v24;
	v17 =	vmin.f32 v17, v24;
	v24 =	vmax.f32 v20, v19  }
0x53: {  	v19 =	vmin.f32 v20, v19;
	v48 =	vmax.f32 v46, v29;
	v29 =	vmin.f32 v46, v29  }
0x54: {  	v20 =	vmax.f32 v21, v22;
	v21 =	vmin.f32 v21, v22;
	v28 =	vmax.f32 v31, v48  }
0x55: {  	v27 =	vmin.f32 v47, v29;
	v30 =	vmin.f32 v31, v48;
	v29 =	vmax.f32 v47, v29  }
0x56: {  	v31 =	vmax.f32 v49, v25;
	v25 =	vmin.f32 v49, v25;
	v53 =	vmax.f32 v23, v28  }
0x57: {  	v54 =	vmin.f32 v26, v27;
	v23 =	vmin.f32 v23, v28;
	v26 =	vmax.f32 v26, v27  }
0x58: {  	v22 =	vmax.f32 v29, v30;
	v27 =	vmin.f32 v29, v30;
	v28 =	vmax.f32 v55, v24  }
0x59: {  	v24 =	vmin.f32 v55, v24;
	v29 =	vmax.f32 v17, v19;
	v17 =	vmin.f32 v17, v19  }
0x5a: {  	v30 =	vmin.f32 v20, v22;
	v56 =	vmax.f32 v21, v27;
	v19 =	vmax.f32 v20, v22  }
0x5b: {  	v20 =	vmin.f32 v21, v27;
	v21 =	vmax.f32 v28, v25;
	v22 =	vmin.f32 v28, v25  }
0x5c: {  	v25 =	vmax.f32 v51, v17;
	v17 =	vmin.f32 v51, v17;
	v27 =	vmax.f32 v19, v23  }
0x5d: {  	v19 =	vmin.f32 v19, v23;
	v23 =	vmin.f32 v26, v20;
	v20 =	vmax.f32 v26, v20  }
0x5e: {  	v26 =	vmax.f32 v29, v22;
	v28 =	vmin.f32 v25, v24;
	v22 =	vmin.f32 v29, v22  }
0x5f: {  	v24 =	vmax.f32 v25, v24;
	v57 =	vmax.f32 v56, v19;
	v19 =	vmin.f32 v56, v19  }
0x60: {  	v25 =	vmax.f32 v20, v30;
	v20 =	vmin.f32 v20, v30;
	v30 =	vmax.f32 v24, v22  }
0x61: {  	v24 =	vmin.f32 v24, v22;
	v22 =	vmax.f32 v7, v54;
	v23 =	vmax.f32 v7, v23  }
0x62: {  	v27 =	vmax.f32 v7, v27;
	v29 =	vmax.f32 v25, v19;
	v19 =	vmin.f32 v25, v19  }
0x63: {  	v25 =	vmax.f32 v7, v53;
	v32 =	vmax.f32 v7, v57;
	v20 =	vmax.f32 v7, v20  }
0x64: {  	v58 =	vmax.f32 v23, v32;
	v23 =	vmin.f32 v23, v32;
	v29 =	vmax.f32 v7, v29  }
0x65: {  	v59 =	vmax.f32 v20, v27;
	v20 =	vmin.f32 v20, v27;
	v19 =	vmax.f32 v7, v19  }
0x66: {  	v27 =	vmax.f32 v22, v29;
	v22 =	vmin.f32 v22, v29;
	v29 =	vmax.f32 v19, v25  }
0x67: {  	v19 =	vmin.f32 v19, v25;
	v25 =	vmax.f32 v27, v59;
	v27 =	vmin.f32 v27, v59  }
0x68: {  	v60 =	vmax.f32 v58, v29;
	v29 =	vmin.f32 v58, v29;
	v61 =	vmax.f32 v22, v20  }
0x69: {  	v20 =	vmin.f32 v22, v20;
	v22 =	vmax.f32 v23, v19;
	v19 =	vmin.f32 v23, v19  }
0x6a: {  	v23 =	vmax.f32 v25, v60;
	v25 =	vmin.f32 v25, v60;
	v62 =	vmax.f32 v27, v29  }
0x6b: {  	v27 =	vmin.f32 v27, v29;
	v29 =	vmax.f32 v61, v22;
	v34 =	vmin.f32 v61, v22  }
0x6c: {  	v63 =	vmax.f32 v20, v19;
	v19 =	vmin.f32 v20, v19;
	v23 =	vmax.f32 v23, v52  }
0x6d: {  	v22 =	vmax.f32 v25, v17;
	v17 =	vmax.f32 v62, v28;
	v20 =	vmax.f32 v27, v24  }
0x6e: {  	v24 =	vmax.f32 v29, v30;
	v32 =	vmax.f32 v34, v26;
	v25 =	vmax.f32 v63, v21  }
0x6f: {  	v29 =	vmax.f32 v19, v31;
	v30 =	vmin.f32 v23, v24;
	v19 =	vmin.f32 v22, v32  }
0x70: {  	v33 =	vmin.f32 v17, v25;
	v21 =	vmin.f32 v20, v29;
	v34 =	vmax.f32 v23, v24  }
0x71: {  	v23 =	vmax.f32 v7, v3;
	v24 =	vmax.f32 v13, v15;
	v13 =	vmin.f32 v13, v15  }
0x72: {  	v15 =	vmax.f32 v7, v18;
	v18 =	vmax.f32 v14, v12;
	v12 =	vmin.f32 v14, v12  }
0x73: {  	v7 =	vmax.f32 v7, v16;
	v26 =	vmin.f32 v30, v33;
	v27 =	vmin.f32 v19, v21  }
0x74: {  	v14 =	vmax.f32 v10, v15;
	v10 =	vmin.f32 v10, v15;
	v15 =	vmax.f32 v7, v23  }
0x75: {  	v7 =	vmin.f32 v7, v23;
	v3 =	vmin.f32 v26, v27;
	v16 =	vmax.f32 v14, v18  }
0x76: {  	v14 =	vmin.f32 v14, v18;
	v18 =	vmax.f32 v24, v15;
	v15 =	vmin.f32 v24, v15  }
0x77: {  	v23 =	vmax.f32 v10, v12;
	v10 =	vmin.f32 v10, v12;
	v12 =	vmax.f32 v13, v7  }
0x78: {  	v7 =	vmin.f32 v13, v7;
	v24 =	vmax.f32 v16, v18;
	v16 =	vmin.f32 v16, v18  }
0x79: {  	v28 =	vmax.f32 v14, v15;
	v14 =	vmin.f32 v14, v15;
	v18 =	vmax.f32 v23, v12  }
0x7a: {  	v23 =	vmin.f32 v23, v12;
	v12 =	vmax.f32 v10, v7;
	v13 =	vmin.f32 v10, v7  }
0x7b: {  	s29 =	simm.s32 $0x0;
	s30 =	sadd.s32 $0x800, s25;
	v10 =	vmax.f32 v24, v8;
	v7 =	vmax.f32 v16, v9;
	v8 =	vmax.f32 v28, v11  }
.LBB2_4:
0x7c: {  	v15 =	vld [tilespmem:s30+$0x200];
	v6 =	vmax.f32 v14, v6;
	v5 =	vmax.f32 v18, v5;
	v4 =	vmax.f32 v23, v4  }
0x7d: {  	v2 =	vmax.f32 v12, v2;
	v1 =	vmax.f32 v13, v1;
	v16 =	vld [tilespmem:s30+$0x210];
	v9 =	vmin.f32 v10, v5  }
0x7e: {  	v11 =	vmin.f32 v7, v4;
	v12 =	vmin.f32 v8, v2;
	v13 =	vmin.f32 v6, v1;
	v18 =	vld [tilespmem:s30+$0x220]  }
0x7f: {  	v5 =	vmax.f32 v10, v5;
	v14 =	vmin.f32 v9, v12;
	v24 =	vmin.f32 v11, v13;
	v23 =	vld [tilespmem:s30+$0x230]  }
0x80: {  	v4 =	vmax.f32 v7, v4;
	v2 =	vmax.f32 v8, v2;
	v7 =	vmin.f32 v14, v24;
	v28 =	vld [tilespmem:s30+$0x240]  }
0x81: {  	v1 =	vmax.f32 v6, v1;
	v6 =	vmax.f32 v5, v2;
	v2 =	vmin.f32 v5, v2;
	v31 =	vld [tilespmem:s30+$0x250]  }
0x82: {  	v8 =	vmax.f32 v4, v1;
	v1 =	vmin.f32 v4, v1;
	v4 =	vmax.f32 v9, v12;
	v5 =	vld [tilespmem:s30+$0x260]  }
0x83: {  	v13 =	vmax.f32 v11, v13;
	v12 =	vmax.f32 v6, v8;
	v11 =	vmin.f32 v6, v8;
	v35 =	vld [tilespmem:s30+$0x270]  }
0x84: {  	v10 =	vmax.f32 v2, v1;
	v8 =	vmin.f32 v2, v1;
	v9 =	vmax.f32 v4, v13;
	v6 =	vld [tilespmem:s30+$0xFFFFFE00]  }
0x85: {  	v2 =	vmax.f32 v22, v32;
	v13 =	vmin.f32 v4, v13;
	v14 =	vmax.f32 v14, v24;
	v1 =	vld [tilespmem:s30+$0xFFFFFE10]  }
0x86: {  	v17 =	vmax.f32 v17, v25;
	v20 =	vmax.f32 v20, v29;
	v24 =	vmax.f32 v30, v33;
	v4 =	vld [tilespmem:s30+$0xFFFFFE20]  }
0x87: {  	v22 =	vmax.f32 v34, v17;
	v17 =	vmin.f32 v34, v17;
	v25 =	vmax.f32 v2, v20;
	v29 =	vld [tilespmem:s30+$0xFFFFFE30]  }
0x88: {  	v32 =	vmax.f32 v19, v21;
	v2 =	vmin.f32 v2, v20;
	v21 =	vmax.f32 v22, v25;
	v30 =	vld [tilespmem:s30+$0xFFFFFE40]  }
0x89: {  	v22 =	vmin.f32 v22, v25;
	v19 =	vmax.f32 v17, v2;
	v17 =	vmin.f32 v17, v2;
	v33 =	vld [tilespmem:s30+$0xFFFFFE50]  }
0x8a: {  	v26 =	vmax.f32 v26, v27;
	v20 =	vmax.f32 v24, v32;
	v25 =	vmin.f32 v24, v32;
	v2 =	vld [tilespmem:s30+$0xFFFFFE60]  }
0x8b: {  	v27 =	vmax.f32 v15, v16;
	v24 =	vld [tilespmem:s30+$0xFFFFFE70]  }
0x8c: {  	v15 =	vmin.f32 v15, v16;
	v16 =	vmax.f32 v18, v23;
	v18 =	vmin.f32 v18, v23  }
0x8d: {  	v23 =	vmax.f32 v28, v31;
	v28 =	vmin.f32 v28, v31;
	v31 =	vmax.f32 v5, v35  }
0x8e: {  	v5 =	vmin.f32 v5, v35;
	v32 =	vmax.f32 v6, v1;
	v1 =	vmin.f32 v6, v1  }
0x8f: {  	v6 =	vmax.f32 v4, v29;
	v4 =	vmin.f32 v4, v29;
	v29 =	vmax.f32 v30, v33  }
0x90: {  	v30 =	vmin.f32 v30, v33;
	v33 =	vmax.f32 v2, v24;
	v2 =	vmin.f32 v2, v24  }
0x91: {  	v34 =	vmin.f32 v15, v18;
	v35 =	vmax.f32 v23, v31;
	v24 =	vmax.f32 v27, v16  }
0x92: {  	v36 =	vmin.f32 v28, v5;
	v16 =	vmin.f32 v27, v16;
	v27 =	vmax.f32 v15, v18  }
0x93: {  	v31 =	vmin.f32 v23, v31;
	v5 =	vmax.f32 v28, v5;
	v37 =	vmax.f32 v32, v6  }
0x94: {  	v28 =	vmin.f32 v1, v4;
	v38 =	vmax.f32 v29, v33;
	v39 =	vmin.f32 v30, v2  }
0x95: {  	v6 =	vmin.f32 v32, v6;
	v4 =	vmax.f32 v1, v4;
	v29 =	vmin.f32 v29, v33;
	v32 =	vld [tilespmem:s30+$0x0]  }
0x96: {  	v15 =	vmin.f32 v34, v36;
	v2 =	vmax.f32 v30, v2;
	v1 =	vmax.f32 v24, v35;
	v30 =	vld [tilespmem:s30+$0x10]  }
0x97: {  	v34 =	vmax.f32 v34, v36;
	v24 =	vmin.f32 v24, v35;
	v18 =	vmax.f32 v37, v38;
	v33 =	vld [tilespmem:s30+$0x20]  }
0x98: {  	v35 =	vmax.f32 v27, v16;
	v16 =	vmin.f32 v27, v16;
	v23 =	vmin.f32 v28, v39;
	v40 =	vld [tilespmem:s30+$0x30]  }
0x99: {  	v36 =	vmax.f32 v5, v31;
	v5 =	vmin.f32 v5, v31;
	v27 =	vmin.f32 v37, v38;
	v41 =	vld [tilespmem:s30+$0x40]  }
0x9a: {  	v31 =	vmax.f32 v4, v6;
	v4 =	vmin.f32 v4, v6;
	v6 =	vmax.f32 v28, v39;
	v39 =	vld [tilespmem:s30+$0x50]  }
0x9b: {  	v28 =	vmax.f32 v2, v29;
	v2 =	vmin.f32 v2, v29;
	v37 =	vmin.f32 v35, v36;
	v29 =	vld [tilespmem:s30+$0x60]  }
0x9c: {  	v35 =	vmax.f32 v35, v36;
	v36 =	vmax.f32 v16, v5;
	v5 =	vmin.f32 v16, v5;
	v42 =	vld [tilespmem:s30+$0x70]  }
0x9d: {  	v38 =	vmax.f32 v31, v28;
	v44 =	vmin.f32 v31, v28;
	v45 =	vmax.f32 v4, v2;
	v43 =	vld [tilespmem:s30+$0xFFFFFC00]  }
0x9e: {  	v4 =	vmin.f32 v4, v2;
	v2 =	vmax.f32 v35, v24;
	v16 =	vmin.f32 v34, v5;
	v46 =	vld [tilespmem:s30+$0xFFFFFC10]  }
0x9f: {  	v24 =	vmin.f32 v35, v24;
	v5 =	vmax.f32 v34, v5;
	v28 =	vmax.f32 v38, v27;
	v47 =	vld [tilespmem:s30+$0xFFFFFC20]  }
0xa0: {  	v27 =	vmin.f32 v38, v27;
	v38 =	vmax.f32 v6, v4;
	v31 =	vmin.f32 v6, v4;
	v34 =	vld [tilespmem:s30+$0xFFFFFC30]  }
0xa1: {  	v4 =	vmax.f32 v36, v24;
	v6 =	vmin.f32 v36, v24;
	v24 =	vmin.f32 v5, v37;
	v48 =	vld [tilespmem:s30+$0xFFFFFC40]  }
0xa2: {  	v50 =	vmax.f32 v5, v37;
	v36 =	vmax.f32 v45, v27;
	v35 =	vmin.f32 v38, v44;
	v49 =	vld [tilespmem:s30+$0xFFFFFC50]  }
0xa3: {  	v27 =	vmin.f32 v45, v27;
	v37 =	vmax.f32 v38, v44;
	v5 =	vmax.f32 v50, v6;
	v51 =	vld [tilespmem:s30+$0xFFFFFC60]  }
0xa4: {  	v6 =	vmin.f32 v50, v6;
	v38 =	vmax.f32 v37, v27;
	v37 =	vmin.f32 v37, v27;
	v44 =	vld [tilespmem:s30+$0xFFFFFC70]  }
0xa5: {  	v27 =	vmax.f32 v32, v30;
	v30 =	vmin.f32 v32, v30;
	v32 =	vmax.f32 v33, v40  }
0xa6: {  	v33 =	vmin.f32 v33, v40;
	v40 =	vmax.f32 v41, v39;
	v39 =	vmin.f32 v41, v39  }
0xa7: {  	v45 =	vmax.f32 v29, v42;
	v29 =	vmin.f32 v29, v42;
	v41 =	vmax.f32 v43, v46  }
0xa8: {  	v42 =	vmin.f32 v43, v46;
	v43 =	vmax.f32 v47, v34;
	v34 =	vmin.f32 v47, v34  }
0xa9: {  	v46 =	vmax.f32 v48, v49;
	v47 =	vmin.f32 v48, v49;
	v48 =	vmax.f32 v51, v44  }
0xaa: {  	v50 =	vmin.f32 v30, v33;
	v49 =	vmax.f32 v27, v32;
	v44 =	vmin.f32 v51, v44  }
0xab: {  	v27 =	vmin.f32 v27, v32;
	v32 =	vmax.f32 v40, v45;
	v51 =	vmin.f32 v39, v29  }
0xac: {  	v30 =	vmax.f32 v30, v33;
	v33 =	vmin.f32 v40, v45;
	v29 =	vmax.f32 v39, v29  }
0xad: {  	v40 =	vmin.f32 v42, v34;
	v39 =	vmax.f32 v41, v43;
	v45 =	vmax.f32 v46, v48  }
0xae: {  	v34 =	vmax.f32 v42, v34;
	v41 =	vmin.f32 v41, v43;
	v42 =	vmin.f32 v47, v44  }
0xaf: {  	v43 =	vmin.f32 v46, v48;
	v44 =	vmax.f32 v47, v44;
	v46 =	vmax.f32 v49, v32  }
0xb0: {  	v32 =	vmin.f32 v49, v32;
	v47 =	vmax.f32 v50, v51;
	v48 =	vmin.f32 v50, v51  }
0xb1: {  	v51 =	vmax.f32 v30, v27;
	v49 =	vmax.f32 v39, v45;
	v50 =	vmin.f32 v40, v42  }
0xb2: {  	v27 =	vmin.f32 v30, v27;
	v30 =	vmax.f32 v29, v33;
	v29 =	vmin.f32 v29, v33  }
0xb3: {  	v33 =	vmax.f32 v34, v41;
	v39 =	vmin.f32 v39, v45;
	v40 =	vmax.f32 v40, v42  }
0xb4: {  	v34 =	vmin.f32 v34, v41;
	v41 =	vmax.f32 v44, v43;
	v42 =	vmin.f32 v44, v43  }
0xb5: {  	v43 =	vmax.f32 v51, v30;
	v30 =	vmin.f32 v51, v30;
	v44 =	vmax.f32 v27, v29  }
0xb6: {  	v27 =	vmin.f32 v27, v29;
	v45 =	vmin.f32 v33, v41;
	v51 =	vmax.f32 v34, v42  }
0xb7: {  	v29 =	vmax.f32 v33, v41;
	v33 =	vmin.f32 v34, v42;
	v34 =	vmax.f32 v43, v32  }
0xb8: {  	v32 =	vmin.f32 v43, v32;
	v41 =	vmax.f32 v47, v27;
	v27 =	vmin.f32 v47, v27  }
0xb9: {  	v42 =	vmax.f32 v29, v39;
	v29 =	vmin.f32 v29, v39;
	v39 =	vmin.f32 v40, v33  }
0xba: {  	v33 =	vmax.f32 v40, v33;
	v40 =	vmax.f32 v44, v32;
	v43 =	vmin.f32 v41, v30  }
0xbb: {  	v32 =	vmin.f32 v44, v32;
	v30 =	vmax.f32 v41, v30;
	v47 =	vmax.f32 v51, v29  }
0xbc: {  	v29 =	vmin.f32 v51, v29;
	v41 =	vmax.f32 v33, v45;
	v33 =	vmin.f32 v33, v45  }
0xbd: {  	v45 =	vmax.f32 v30, v32;
	v30 =	vmin.f32 v30, v32;
	v44 =	vmax.f32 v41, v29  }
0xbe: {  	v21 =	vmax.f32 v21, v50;
	v3 =	vmax.f32 v3, v49;
	v29 =	vmin.f32 v41, v29  }
0xbf: {  	v22 =	vmax.f32 v22, v39;
	v26 =	vmax.f32 v26, v42;
	v25 =	vmax.f32 v25, v47  }
0xc0: {  	v19 =	vmax.f32 v19, v33;
	v32 =	vmax.f32 v22, v25;
	v22 =	vmin.f32 v22, v25  }
0xc1: {  	v20 =	vmax.f32 v20, v44;
	v25 =	vmax.f32 v19, v26;
	v19 =	vmin.f32 v19, v26  }
0xc2: {  	v17 =	vmax.f32 v17, v29;
	v26 =	vmax.f32 v21, v20;
	v20 =	vmin.f32 v21, v20  }
0xc3: {  	v21 =	vmax.f32 v17, v3;
	v3 =	vmin.f32 v17, v3;
	v17 =	vmax.f32 v26, v25  }
0xc4: {  	v25 =	vmin.f32 v26, v25;
	v26 =	vmax.f32 v32, v21;
	v21 =	vmin.f32 v32, v21  }
0xc5: {  	v29 =	vmax.f32 v20, v19;
	v19 =	vmin.f32 v20, v19;
	v20 =	vmax.f32 v22, v3  }
0xc6: {  	v3 =	vmin.f32 v22, v3;
	v22 =	vmax.f32 v17, v26;
	v17 =	vmin.f32 v17, v26  }
0xc7: {  	v26 =	vmax.f32 v25, v21;
	v21 =	vmin.f32 v25, v21;
	v25 =	vmax.f32 v29, v20  }
0xc8: {  	v29 =	vmin.f32 v29, v20;
	v33 =	vmax.f32 v19, v3;
	v3 =	vmin.f32 v19, v3  }
0xc9: {  	v39 =	vmax.f32 v22, v48;
	v22 =	vmax.f32 v17, v27;
	v17 =	vmax.f32 v26, v43  }
0xca: {  	v20 =	vmax.f32 v21, v30;
	v26 =	vmax.f32 v25, v45;
	v32 =	vmax.f32 v29, v40  }
0xcb: {  	s29 =	sadd.s32 $0x2, s29;
	v25 =	vmax.f32 v33, v34;
	v29 =	vmax.f32 v3, v46;
	v30 =	vmin.f32 v39, v26  }
0xcc: {  	p2 =	slt.u32 s29, $0x1E;
	v19 =	vmin.f32 v22, v32;
	v33 =	vmin.f32 v17, v25;
	v21 =	vmin.f32 v20, v29  }
0xcd: {  	v34 =	vmax.f32 v39, v26;
	v26 =	vmin.f32 v30, v33;
	v27 =	vmin.f32 v19, v21  }
0xce: {  	v12 =	vmax.f32 v12, v23;
	v7 =	vmax.f32 v7, v18;
	v3 =	vmin.f32 v26, v27  }
0xcf: {  	v11 =	vmax.f32 v11, v31;
	v14 =	vmax.f32 v14, v28;
	v13 =	vmax.f32 v13, v36  }
0xd0: {  	v10 =	vmax.f32 v10, v35;
	v18 =	vmax.f32 v11, v13;
	v11 =	vmin.f32 v11, v13  }
0xd1: {  	v9 =	vmax.f32 v9, v38;
	v13 =	vmax.f32 v10, v14;
	v10 =	vmin.f32 v10, v14  }
0xd2: {  	v8 =	vmax.f32 v8, v37;
	v14 =	vmax.f32 v12, v9;
	v9 =	vmin.f32 v12, v9  }
0xd3: {  	v12 =	vmax.f32 v8, v7;
	v7 =	vmin.f32 v8, v7;
	v8 =	vmax.f32 v14, v13  }
0xd4: {  	v13 =	vmin.f32 v14, v13;
	v14 =	vmax.f32 v18, v12;
	v12 =	vmin.f32 v18, v12  }
.Ltmp0:
0xd5: {  	v23 =	vmax.f32 v9, v10;
	v9 =	vmin.f32 v9, v10;
	v10 =	vmax.f32 v11, v7;
	(pc) =	sbr.rel @p2 .LBB2_4-.Ltmp0, $4  }
0xd6: {  	v7 =	vmin.f32 v11, v7;
	v11 =	vmax.f32 v8, v14;
	v8 =	vmin.f32 v8, v14  }
0xd7: {  	v28 =	vmax.f32 v13, v12;
	v14 =	vmin.f32 v13, v12;
	v18 =	vmax.f32 v23, v10  }
0xd8: {  	v23 =	vmin.f32 v23, v10;
	v12 =	vmax.f32 v9, v7;
	v13 =	vmin.f32 v9, v7  }
0xd9: {  	v10 =	vmax.f32 v11, v15;
	v7 =	vmax.f32 v8, v16;
	v8 =	vmax.f32 v28, v24;
	s30 =	sadd.s32 $0x800, s30  }
0xda: {  	v6 =	vmax.f32 v14, v6;
	v5 =	vmax.f32 v18, v5;
	v4 =	vmax.f32 v23, v4  }
0xdb: {  	v2 =	vmax.f32 v12, v2;
	v1 =	vmax.f32 v13, v1;
	v28 =	vmax.f32 v22, v32  }
0xdc: {  	v32 =	vmax.f32 v17, v25;
	v35 =	vmax.f32 v20, v29;
	v36 =	vmax.f32 v30, v33  }
0xdd: {  	v38 =	vmax.f32 v19, v21;
	v41 =	vmax.f32 v26, v27;
	v9 =	vmin.f32 v10, v5  }
0xde: {  	v11 =	vmin.f32 v7, v4;
	v12 =	vmin.f32 v8, v2;
	v13 =	vmin.f32 v6, v1  }
0xdf: {  	v5 =	vmax.f32 v10, v5;
	v4 =	vmax.f32 v7, v4;
	v2 =	vmax.f32 v8, v2  }
0xe0: {  	v1 =	vmax.f32 v6, v1;
	v37 =	vmax.f32 v34, v32;
	v10 =	vmin.f32 v34, v32  }
0xe1: {  	v40 =	vmax.f32 v36, v38;
	v60 =	vmin.f32 v9, v12;
	v61 =	vmin.f32 v11, v13  }
0xe2: {  	v63 =	vmax.f32 v5, v2;
	v2 =	vmin.f32 v5, v2;
	v15 =	vmax.f32 v4, v1  }
0xe3: {  	v1 =	vmin.f32 v4, v1;
	v16 =	vmax.f32 v9, v12;
	v18 =	vmax.f32 v11, v13  }
0xe4: {  	v11 =	vmin.f32 v28, v35;
	v12 =	vmin.f32 v36, v38;
	v62 =	vmin.f32 v60, v61  }
0xe5: {  	v23 =	vmax.f32 v63, v15;
	v5 =	vmin.f32 v63, v15;
	v24 =	vmax.f32 v2, v1  }
0xe6: {  	v1 =	vmin.f32 v2, v1;
	v2 =	vmax.f32 v16, v18;
	v4 =	vmin.f32 v16, v18  }
0xe7: {  	v31 =	vmax.f32 v60, v61;
	v15 =	vmax.f32 v28, v35;
	v39 =	vmax.f32 v10, v11  }
0xe8: {  	v10 =	vmin.f32 v10, v11;
	v16 =	vmax.f32 v37, v15;
	v14 =	vmin.f32 v37, v15  }
0xe9: {  	v4 =	vmax.f32 v39, v4;
	v2 =	vmax.f32 v10, v2;
	v1 =	vmax.f32 v40, v1  }
0xea: {  	v6 =	vmax.f32 v12, v24;
	v5 =	vmax.f32 v41, v5;
	v3 =	vmax.f32 v3, v23  }
0xeb: {  	v7 =	vmax.f32 v16, v62;
	v8 =	vmax.f32 v14, v31;
	v44 =	vmax.f32 v4, v5  }
0xec: {  	v45 =	vmax.f32 v2, v3;
	v42 =	vmax.f32 v7, v1;
	v43 =	vmax.f32 v8, v6  }
0xed: {  	v46 =	vmax.f32 v42, v44;
	v47 =	vmax.f32 v43, v45  }
0xee: {  	v48 =	vmax.f32 v46, v47  }
0xef: {  	v13 =	vmin.f32 v46, v47;
	(xrf1) =	vsort.dscd.msk.f32 $0xffff, v48, v48  }
0xf0: {  	(xrf1) =	vsort.dscd.msk.f32 $0xffff, v13, v13;
	_ =	sdelay $0xb  }
0xf1: {  	v49 =	vmul.u32 $0xFFFFFFFF, v0  }
0xf2: {  	v50, _, _ =	vpop (xrf1)  }
0xf3: {  	v13 =	vadd.s32 $0xF, v49;
	v51, _, _ =	vpop (xrf1)  }
0xf4: {  	v15 =	vperm.xlane v51, v13;
	_ =	sdelay $0x1  }
0xf5: {  	v9 =	vmin.f32 v42, v44;
	v10 =	vmin.f32 v43, v45;
	v52 =	vsel vm0, v50, v15  }
0xf6: {  	v12 =	vmax.f32 v9, v10;
	(xrf1) =	vsort.dscd.msk.f32 $0xffff, v52, v52  }
0xf7: {  	v9 =	vmin.f32 v9, v10;
	(xrf1) =	vsort.dscd.msk.f32 $0xffff, v12, v12  }
0xf8: {  	(xrf1) =	vsort.dscd.msk.f32 $0xffff, v9, v9;
	_ =	sdelay $0xb  }
0xf9: {  	v53, _, _ =	vpop (xrf1)  }
0xfa: {  	v54, _, _ =	vpop (xrf1)  }
0xfb: {  	v55, _, _ =	vpop (xrf1)  }
0xfc: {  	v4 =	vmin.f32 v4, v5;
	v56 =	vperm.xlane v55, v13  }
0xfd: {  	v2 =	vmin.f32 v2, v3;
	v1 =	vmin.f32 v7, v1;
	v6 =	vmin.f32 v8, v6  }
0xfe: {  	v3 =	vmax.f32 v1, v4;
	v57 =	vmax.f32 v6, v2;
	v7 =	vsel vm0, v54, v56  }
0xff: {  	v58 =	vmax.f32 v3, v57;
	(xrf1) =	vsort.dscd.msk.f32 $0xffff, v7, v7  }
0x100: {  	v3 =	vmin.f32 v3, v57;
	(xrf1) =	vsort.dscd.msk.f32 $0xffff, v58, v58  }
0x101: {  	(xrf1) =	vsort.dscd.msk.f32 $0xffff, v3, v3;
	_ =	sdelay $0xb  }
0x102: {  	v3, _, _ =	vpop (xrf1)  }
0x103: {  	v59, _, _ =	vpop (xrf1)  }
0x104: {  	v60, _, _ =	vpop (xrf1)  }
0x105: {  	v7 =	vperm.xlane v60, v13;
	_ =	sdelay $0x1  }
0x106: {  	v1 =	vmin.f32 v1, v4;
	v2 =	vmin.f32 v6, v2;
	v61 =	vsel vm0, v59, v7  }
0x107: {  	v62 =	vmax.f32 v1, v2;
	(xrf1) =	vsort.dscd.msk.f32 $0xffff, v61, v61  }
0x108: {  	v1 =	vmin.f32 v1, v2;
	(xrf1) =	vsort.dscd.msk.f32 $0xffff, v62, v62  }
0x109: {  	(xrf1) =	vsort.dscd.msk.f32 $0xffff, v1, v1;
	_ =	sdelay $0xb  }
0x10a: {  	v1, _, _ =	vpop (xrf1)  }
0x10b: {  	v2, _, _ =	vpop (xrf1)  }
0x10c: {  	v63, _, _ =	vpop (xrf1)  }
0x10d: {  	v4 =	vperm.xlane v63, v13;
	_ =	sdelay $0x1  }
0x10e: {  	v2 =	vsel vm0, v2, v4  }
0x10f: {  	(xrf1) =	vsort.dscd.msk.f32 $0xffff, v2, v2;
	_ =	sdelay $0xd  }
0x110: {  	v3 =	vperm.xlane v3, v13;
	v2, _, _ =	vpop (xrf1)  }
0x111: {  	v2 =	vperm.xlane v2, v13  }
0x112: {  	v3 =	vsel vm0, v53, v3  }
0x113: {  	(xrf1) =	vsort.dscd.msk.f32 $0xffff, v3, v3;
	v1 =	vsel vm0, v1, v2  }
0x114: {  	(xrf1) =	vsort.dscd.msk.f32 $0xffff, v1, v1;
	_ =	sdelay $0xc  }
0x115: {  	v1, _, _ =	vpop (xrf1)  }
0x116: {  	v2, _, _ =	vpop (xrf1)  }
0x117: {  	v2 =	vperm.xlane v2, v13;
	_ =	sdelay $0x1  }
0x118: {  	v1 =	vsel vm0, v1, v2  }
0x119: {  	(xrf1) =	vsort.dscd.msk.f32 $0xffff, v1, v1;
	_ =	sdelay $0x7  }
0x11a: {  	v1 =	vmul.u32 $0x100, v0  }
0x11b: {  	s29 =	sadd.s32 s26, s28;
	s28 =	sadd.s32 $0x1, s28  }
0x11c: {  	p2 =	sne.s32 s28, $0x4;
	v1 =	vor.u32 s29, v1  }
.Ltmp1:
0x11d: {  	_ = 	snop;
	(pc) =	sbr.rel @p2 .LBB2_3-.Ltmp1, $3  }
0x11e: {  	_ =	sdelay $0x1  }
0x11f: {  	v2, _, _ =	vpop (xrf1)  }
0x120: {  	s25 =	sadd.s32 $0x80, s25;
	[tilespmem:v1+s22+$0x0] =	vst.idx.msk $0xff, v2  }
0x121: {  	p2 =	sgt.u32 s3, $0x3D  }
0x122: {  	p1 =	por !p1, !p1;
	p3 =	sne.s32 @!p2 s21, $0x0  }
0x123: {  	s21 =	sadd.s32 $0x2, s3;
	p1 =	por p2, p1;
	p3 =	por p3, p2  }
0x124: {  	s25 =	sshll.u32 @!p3 s21, $0xF;
	s21 =	sshll.u32 @!p1 s21, $0xF  }
0x125: {  	s26 =	simm.s32 @!p3 $0x200;
	s25 =	sadd.s32 @!p3 s25, s6;
	s21 =	sadd.s32 @!p1 s4, s21  }
0x126: {  	s28 =	simm.s32 @!p3 $0x400;
	s25 =	sshrl.u32 @!p3 s25, $0x3;
	s21 =	sand.u32 @!p1 $0x1FF0000, s21  }
0x127: {  	s29 =	simm.s32 @!p3 $0x0;
	s25 =	sadd.s32 @!p3 s2, s25;
	s21 =	sadd.s32 @!p1 s5, s21  }
0x128: {  	[tilespmem:s29], [sflag:$0x1] =	stream.strided.gather @!p3 [hbm4b:s25+s26], $0x8000, s28, s26, $0x38;
	[tilespmem:$0x10800] =	vst v63  }
0x129: {  	s3 =	sadd.s32 $0x1, s3;
	s21 =	sshrl.u32 @!p1 s21, $0x3;
	s25 =	simm.s32 @!p1 $0x200  }
0x12a: {  	s26 =	simm.s32 @!p1 $0x400;
	s28 =	simm.s32 @!p1 $0x8000;
	s21 =	sadd.s32 @!p1 s21, s7  }
0x12b: {  	[tilespmem:s28], [sflag:$0x2] =	stream.strided.gather @!p1 [hbm4b:s21+s25], $0x8000, s26, s25, $0x38;
	[tilespmem:$0x10800] =	vst v63  }
0x12c: {  	p1 =	sne.s32 s3, $0x40  }
.Ltmp2:
0x12d: {  	_ = 	snop;
	(pc) =	sbr.rel @p1 .LBB2_2-.Ltmp2, $2  }
0x12e: {  	_ =	sdelay $0x2  }
0x12f: {  	p0 =	por !p0, !p0  }
0x130: {  	[hbm4b:s8+s23] =	stream.strided.scatter [tilespmem:s22], [sflag:$0x3], $0x100, s20, s23, $0x38;
	[tilespmem:$0x10800] =	vst v63  }
0x131: {  	_ =	swait.ge [sflag:s24], $0x100  }
0x132: {  	[sflag:s24] =	ssyncset.done $0x0  }
0x133: {  	s3 =	simm.s32 $0x10100;
	[sflag:s24] =	ssyncadd.s32 $0xFFFFFF00  }
0x134: {  	[hbm4b:s11+s23] =	stream.strided.scatter [tilespmem:s3], [sflag:$0x3], $0x100, s20, s23, $0x38;
	[tilespmem:$0x10800] =	vst v63  }
0x135: {  	_ =	swait.ge [sflag:s24], $0x100  }
0x136: {  	[sflag:s24] =	ssyncset.done $0x0  }
0x137: {  	s26 =	simm.s32 $0x10200;
	[sflag:s24] =	ssyncadd.s32 $0xFFFFFF00  }
0x138: {  	[hbm4b:s12+s23] =	stream.strided.scatter [tilespmem:s26], [sflag:$0x3], $0x100, s20, s23, $0x38;
	[tilespmem:$0x10800] =	vst v63  }
0x139: {  	_ =	swait.ge [sflag:s24], $0x100  }
0x13a: {  	[sflag:s24] =	ssyncset.done $0x0  }
0x13b: {  	s28 =	simm.s32 $0x10300;
	[sflag:s24] =	ssyncadd.s32 $0xFFFFFF00  }
0x13c: {  	[hbm4b:s13+s23] =	stream.strided.scatter [tilespmem:s28], [sflag:$0x3], $0x100, s20, s23, $0x38;
	[tilespmem:$0x10800] =	vst v63  }
0x13d: {  	_ =	swait.ge [sflag:s24], $0x100  }
0x13e: {  	[sflag:s24] =	ssyncset.done $0x0  }
0x13f: {  	s29 =	simm.s32 $0x10400;
	[sflag:s24] =	ssyncadd.s32 $0xFFFFFF00  }
0x140: {  	[hbm4b:s14+s23] =	stream.strided.scatter [tilespmem:s29], [sflag:$0x3], $0x100, s20, s23, $0x38;
	[tilespmem:$0x10800] =	vst v63  }
0x141: {  	_ =	swait.ge [sflag:s24], $0x100  }
0x142: {  	[sflag:s24] =	ssyncset.done $0x0  }
0x143: {  	s30 =	simm.s32 $0x10500;
	[sflag:s24] =	ssyncadd.s32 $0xFFFFFF00  }
0x144: {  	[hbm4b:s15+s23] =	stream.strided.scatter [tilespmem:s30], [sflag:$0x3], $0x100, s20, s23, $0x38;
	[tilespmem:$0x10800] =	vst v63  }
0x145: {  	_ =	swait.ge [sflag:s24], $0x100  }
0x146: {  	[sflag:s24] =	ssyncset.done $0x0  }
0x147: {  	[sflag:s24] =	ssyncadd.s32 $0xFFFFFF00  }
0x148: {  	[hbm4b:s16+s23] =	stream.strided.scatter [tilespmem:s31], [sflag:$0x3], $0x100, s20, s23, $0x38;
	[tilespmem:$0x10800] =	vst v63  }
0x149: {  	s1 =	sadd.s32 $0x1, s1;
	_ =	swait.ge [sflag:s24], $0x100  }
0x14a: {  	p0 =	sne.s32 s1, s18;
	[sflag:s24] =	ssyncset.done $0x0  }
.Ltmp3:
0x14b: {  	[sflag:s24] =	ssyncadd.s32 $0xFFFFFF00;
	(pc) =	sbr.rel @p0 .LBB2_1-.Ltmp3, $4  }
0x14c: {  	[hbm4b:s17+s23] =	stream.strided.scatter [tilespmem:s0], [sflag:$0x3], $0x100, s20, s23, $0x38;
	[tilespmem:$0x10800] =	vst v63  }
0x14d: {  	_ =	swait.ge [sflag:s24], $0x100  }
0x14e: {  	[sflag:s24] =	ssyncset.done $0x0  }
0x14f: {  	[sflag:s24] =	ssyncadd.s32 $0xFFFFFF00  }
0x150: {  	_ =	sfence.sel $0x180000  }
0x151: {  	[bflag:$0x0] =	sbarrier.arrive $0xFFFF  }
0x152: {  	_ =	strace $0x90000047  }
0x153: {  	s0 =	stileid.u32;
	[bflag:$0x2] =	sbarrier.arrive $0xFFFF  }
0x154: {  	p0 =	sne.s32 s0, $0x0;
	s0 =	rddreg [dreg:$0x2]  }
0x155: {  	s0 =	sadd.s32 @!p0 $0x100000, s0  }
0x156: {  	[sflag:s0] =	ssyncadd.tile.s32 @!p0 $0x1;
	_ =	shalt  }
.Lfunc_end2:
_tile_overlayer_lowered:
.L_overlay_start_2:
0x157: {  	(tag) =	ssettag $0x2  }
0x158: {  	s0 =	rddreg [dreg:$0x0];
	s2 =	stileid.u32  }
0x159: {  	s1 =	rddreg [dreg:$0x1];
	p0 =	sne.s32 s2, $0x0  }
0x15a: {  	s3 =	rddreg [dreg:$0x2];
	[bflag:$0x3] =	sbarrier.arrive $0xFFFF;
	s2 =	simm.s32 @!p0 $0x1C03  }
0x15b: {  	[timem:s3], [sflag:s2] =	dma.local @!p0 [hbm:s0], s1  }
0x15c: {  	s0 =	simm.s32 @!p0 $0x3  }
0x15d: {  	_ =	swait.ge @!p0 [sflag:s0], s1  }
0x15e: {  	s1 =	ssub.s32 @!p0 $0x0, s1;
	[sflag:s0] =	ssyncset.done @!p0 $0x0  }
0x15f: {  	[sflag:s0] =	ssyncadd.s32 @!p0 s1  }
0x160: {  	[bflag:$0x3] =	sbarrier.arrive $0xFFFF  }
0x161: {  	_ =	shalt  }

</sc_bundles>
